<compile_context>
chip_gen: v7x
topology: tpu7x:2x2x1
jax: 0.10.2.dev20260603
libtpu: 0.0.44.dev20260713+nightly
codegen_flags: <defaults>
</compile_context>

<pallas_src>
import functools

import jax
import jax.numpy as jnp
from jax import lax
from jax.experimental import pallas as pl
from jax.experimental.pallas import tpu as pltpu
from jax.experimental.pallas import tpu_sc as plsc

N_NODES = 10000
NP = 10240
D = 128
H = 128
C = 40
CP = 48
E = 320000
CHUNK = 128
NC, NS = 2, 16
NW = NC * NS
KCH = 80
EP = NW * CHUNK * KCH
ECH = EP // CHUNK
RPT = NP // NS
ZR = 64
DW = 16
RB = 1024
SSTAGE = 40

_MESH = dict(core_axis_name="c", subcore_axis_name="s")


def _seg_sum_kernel(width, tc_tiling=True):

    @functools.partial(
        pl.kernel,
        out_type=jax.ShapeDtypeStruct((NC * NP, width), jnp.float32),
        mesh=plsc.VectorSubcoreMesh(**_MESH),
        compiler_params=pltpu.CompilerParams(use_tc_tiling_on_sc=tc_tiling),
        scratch_types=[
            pltpu.VMEM((SSTAGE, CHUNK), jnp.int32),
            pltpu.VMEM((SSTAGE, CHUNK), jnp.int32),
            pltpu.VMEM((CHUNK, width), jnp.float32),
            pltpu.VMEM((CHUNK, width), jnp.float32),
            pltpu.VMEM_SHARED((NP, width), jnp.float32),
            pltpu.SemaphoreType.DMA,
            pltpu.SemaphoreType.DMA,
            pltpu.SemaphoreType.DMA,
            pltpu.SemaphoreType.DMA,
        ],
    )
    def k(g_hbm, src_hbm, dst_hbm, out_hbm, src_v, dst_v, buf0, buf1, acc,
          gsem0, gsem1, ssem0, ssem1):
        cid = lax.axis_index("c")
        sid = lax.axis_index("s")
        tid = cid * NS + sid
        bufs = (buf0, buf1)
        gsems = (gsem0, gsem1)

        def wait_gather(b, j):
            pltpu.make_async_copy(g_hbm.at[src_v.at[j]], bufs[b],
                                  gsems[b]).wait()

        def zfill(i, _):
            r = i // (width // 16)
            c = lax.rem(i, width // 16)
            buf0[r, pl.ds(c * 16, 16)] = jnp.zeros((16,), jnp.float32)
            return 0

        lax.fori_loop(0, CHUNK * (width // 16), zfill, 0)

        def zinit(r, _):
            pltpu.sync_copy(buf0, acc.at[pl.ds(sid * RPT + r * CHUNK, CHUNK)])
            return 0

        lax.fori_loop(0, RPT // CHUNK, zinit, 0)
        plsc.subcore_barrier()

        for s in range(KCH // SSTAGE):
            pltpu.sync_copy(src_hbm.at[pl.ds(tid * KCH + s * SSTAGE, SSTAGE)],
                            src_v)
            pltpu.sync_copy(dst_hbm.at[pl.ds(tid * KCH + s * SSTAGE, SSTAGE)],
                            dst_v)
            pltpu.async_copy(g_hbm.at[src_v.at[0]], buf0, gsem0)

            def body(i, _):
                for b in range(2):
                    j = 2 * i + b
                    jn = j + 1
                    bn = 1 - b

                    @pl.when(jn < SSTAGE)
                    def _():
                        pltpu.async_copy(g_hbm.at[src_v.at[jn]], bufs[bn],
                                         gsems[bn])

                    wait_gather(b, j)
                    pltpu.sync_copy(bufs[b], acc.at[dst_v.at[j]], add=True)
                return 0

            lax.fori_loop(0, SSTAGE // 2, body, 0)

        plsc.subcore_barrier()
        pltpu.sync_copy(acc.at[pl.ds(sid * RPT, RPT)],
                        out_hbm.at[pl.ds(cid * NP + sid * RPT, RPT)])

    return k


@functools.partial(
    pl.kernel,
    out_type=jax.ShapeDtypeStruct((NC * NP, DW), jnp.float32),
    mesh=plsc.VectorSubcoreMesh(**_MESH),
    scratch_types=[
        pltpu.VMEM((KCH, CHUNK), jnp.int32),
        pltpu.VMEM((CHUNK, DW), jnp.float32),
        pltpu.VMEM((ZR, DW), jnp.float32),
        pltpu.VMEM_SHARED((NP, DW), jnp.float32),
        pltpu.SemaphoreType.DMA,
    ],
)
def _deg_kernel(dst_hbm, out_hbm, dst_v, ones_v, zbuf, acc, sem):
    cid = lax.axis_index("c")
    sid = lax.axis_index("s")
    tid = cid * NS + sid
    pltpu.sync_copy(dst_hbm.at[pl.ds(tid * KCH, KCH)], dst_v)

    def ofill(i, _):
        ones_v[i, pl.ds(0, 16)] = jnp.ones((16,), jnp.float32)
        return 0

    lax.fori_loop(0, CHUNK, ofill, 0)

    def zfill(i, _):
        zbuf[i, pl.ds(0, 16)] = jnp.zeros((16,), jnp.float32)
        return 0

    lax.fori_loop(0, ZR, zfill, 0)

    for r in range(RPT // ZR):
        pltpu.sync_copy(zbuf, acc.at[pl.ds(sid * RPT + r * ZR, ZR)])
    drem = RPT - (RPT // ZR) * ZR
    if drem:
        pltpu.sync_copy(zbuf.at[pl.ds(0, drem)],
                        acc.at[pl.ds(sid * RPT + RPT - drem, drem)])
    plsc.subcore_barrier()

    def body(j, _):
        pltpu.sync_copy(ones_v, acc.at[dst_v.at[j]], add=True)
        return 0

    lax.fori_loop(0, KCH, body, 0)
    plsc.subcore_barrier()
    pltpu.sync_copy(acc.at[pl.ds(sid * RPT, RPT)],
                    out_hbm.at[pl.ds(cid * NP + sid * RPT, RPT)])


def _dinv_block(dr):
    deg = dr[0, :, 0:1] + dr[1, :, 0:1] + 1.0
    return lax.rsqrt(deg)


def _g1_body(xr, wr, dr, gr):
    dinv = _dinv_block(dr)
    hw = jnp.dot(xr[...], wr[...], preferred_element_type=jnp.float32,
                 precision=lax.Precision.HIGHEST)
    gr[...] = hw * dinv


def _hidden_body(sr, gr, dr, wr, b1r, scr, bir, outr):
    dinv = _dinv_block(dr)
    agg = (sr[0] + sr[1] + gr[...]) * dinv
    h = (agg + b1r[...]) * scr[...] + bir[...]
    h = jnp.maximum(h, 0.0)
    outr[...] = jnp.dot(h, wr[...], preferred_element_type=jnp.float32,
                        precision=lax.Precision.HIGHEST) * dinv


def _out_body(sr, gr, dr, br, outr):
    dinv = _dinv_block(dr)
    outr[...] = (sr[0] + sr[1] + gr[...]) * dinv + br[...]


def _row_spec(w):
    return pl.BlockSpec((RB, w), lambda i: (i, 0))


def _part_spec(w):
    return pl.BlockSpec((NC, RB, w), lambda i: (0, i, 0))


def _full_spec(shape):
    return pl.BlockSpec(shape, lambda i: tuple(0 for _ in shape))


_GRID = (NP // RB,)

_g1_call = pl.pallas_call(
    _g1_body,
    grid=_GRID,
    in_specs=[_row_spec(D), _full_spec((D, H)), _part_spec(DW)],
    out_specs=_row_spec(H),
    out_shape=jax.ShapeDtypeStruct((NP, H), jnp.float32),
)

_hidden_call = pl.pallas_call(
    _hidden_body,
    grid=_GRID,
    in_specs=[_part_spec(H), _row_spec(H), _part_spec(DW),
              _full_spec((H, CP)), _full_spec((1, H)), _full_spec((1, H)),
              _full_spec((1, H))],
    out_specs=_row_spec(CP),
    out_shape=jax.ShapeDtypeStruct((NP, CP), jnp.float32),
)

_out_call = pl.pallas_call(
    _out_body,
    grid=_GRID,
    in_specs=[_part_spec(CP), _row_spec(CP), _part_spec(DW),
              _full_spec((1, CP))],
    out_specs=_row_spec(CP),
    out_shape=jax.ShapeDtypeStruct((NP, CP), jnp.float32),
)

_seg_h = _seg_sum_kernel(H)
_seg_c = _seg_sum_kernel(CP, tc_tiling=False)


def kernel(x, edge_index, W1, b1, bn1_scale, bn1_bias, W2, b2):
    src = edge_index[0].astype(jnp.int32)
    dst = edge_index[1].astype(jnp.int32)
    fill = jnp.full((EP - E,), N_NODES, jnp.int32)
    src_p = jnp.concatenate([src, fill]).reshape(ECH, CHUNK)
    dst_p = jnp.concatenate([dst, fill]).reshape(ECH, CHUNK)
    x_p = jnp.pad(x, ((0, NP - N_NODES), (0, 0)))
    W2p = jnp.pad(W2, ((0, 0), (0, CP - C)))
    b2p = jnp.pad(b2, ((0, CP - C),)).reshape(1, CP)
    b1r = b1.reshape(1, H)
    scr = bn1_scale.reshape(1, H)
    bir = bn1_bias.reshape(1, H)

    degp = _deg_kernel(dst_p).reshape(NC, NP, DW)
    g1 = _g1_call(x_p, W1, degp)
    s1 = _seg_h(g1, src_p, dst_p).reshape(NC, NP, H)
    g2 = _hidden_call(s1, g1, degp, W2p, b1r, scr, bir)
    s2 = _seg_c(g2, src_p, dst_p).reshape(NC, NP, CP)
    outp = _out_call(s2, g2, degp, b2p)
    return outp[:N_NODES, :C]

# --- scband reference (transcript-rebuilt; emitter-appended) ---
"""Pipeline reference for scband-msp-80272938762246 (READ-ONLY COPY).

The authoritative reference and input builder live on the scoring server;
editing this copy changes nothing except your own understanding.
"""

import jax, jax.numpy as jnp
import numpy as np

N_NODES = 10000
N_EDGES = 320000
D_FEAT = 128
HIDDEN = 128
N_CLASSES = 40


def setup_inputs(seed: int = 0) -> dict:
    key = jax.random.key(seed)
    k_x, k_e, k_w1, k_w2 = jax.random.split(key, 4)
    x = jax.random.normal(k_x, (N_NODES, D_FEAT), dtype=jnp.float32)
    edge_index = jax.random.randint(k_e, (2, N_EDGES), 0, N_NODES, dtype=jnp.int64)
    W1 = jax.random.normal(k_w1, (D_FEAT, HIDDEN), dtype=jnp.float32) * (1.0 / np.sqrt(D_FEAT))
    b1 = jnp.zeros((HIDDEN,), dtype=jnp.float32)
    bn1_scale = jnp.ones((HIDDEN,), dtype=jnp.float32)
    bn1_bias = jnp.zeros((HIDDEN,), dtype=jnp.float32)
    W2 = jax.random.normal(k_w2, (HIDDEN, N_CLASSES), dtype=jnp.float32) * (1.0 / np.sqrt(HIDDEN))
    b2 = jnp.zeros((N_CLASSES,), dtype=jnp.float32)
    return {"x": x, "edge_index": edge_index, "W1": W1, "b1": b1,
            "bn1_scale": bn1_scale, "bn1_bias": bn1_bias, "W2": W2, "b2": b2}


def reference(x, edge_index, W1, b1, bn1_scale, bn1_bias, W2, b2):
    # MSP.forward -> GCN encoder(x, edge_index) -> logits (eval mode: dropout no-op, BN uses
    # running stats mean=0/var=1). GCNConv with self-loops + symmetric normalization.
    N = x.shape[0]
    self_loop = jnp.arange(N, dtype=edge_index.dtype)
    src = jnp.concatenate([edge_index[0], self_loop])
    dst = jnp.concatenate([edge_index[1], self_loop])
    deg = jax.ops.segment_sum(jnp.ones(src.shape[0], dtype=x.dtype), dst, num_segments=N)
    dinv = jnp.where(deg > 0, 1.0 / jnp.sqrt(deg), 0.0)
    norm = dinv[src] * dinv[dst]

    def gcn_conv(h, W, b):
        hw = h @ W
        msg = jnp.take(hw, src, axis=0) * norm[:, None]
        agg = jax.ops.segment_sum(msg, dst, num_segments=N)
        return agg + b

    h = gcn_conv(x, W1, b1)
    h = h * bn1_scale + bn1_bias  # BatchNorm1d in eval mode (running_mean=0, running_var=1)
    h = jax.nn.relu(h)
    logits = gcn_conv(h, W2, b2)
    return logits

if __name__ == "__main__":
    import jax
    _d = setup_inputs()
    print(jax.jit(kernel)(*tuple(_d.values())))

</pallas_src>

<mosaic_0001>
#map = affine_map<(d0, d1) -> (0, 0)>
module attributes {stable_mosaic.version = 14 : i64} {
  func.func @_deg_kernel(%arg0: i32, %arg1: i32, %arg2: memref<2560x128xi32, #tpu.memory_space<hbm>>, %arg3: memref<20480x16xf32, #tpu.memory_space<hbm>>, %arg4: memref<80x128xi32, #tpu.memory_space<vmem>>, %arg5: memref<128x16xf32, #tpu.memory_space<vmem>>, %arg6: memref<64x16xf32, #tpu.memory_space<vmem>>, %arg7: memref<10240x16xf32, #tpu.memory_space<vmem_shared>>, %arg8: memref<!tpu.dma_semaphore, #tpu.memory_space<semaphore_mem>>) attributes {dimension_semantics = [#tpu.dimension_semantics<core_parallel>, #tpu.dimension_semantics<subcore_parallel>], iteration_bounds = array<i64: 2, 16>, scalar_prefetch = 0 : i64, scratch_operands = 5 : i64, tpu.core_type = #tpu.core_type<sc_vector_subcore>, window_params = [{transform_indices = #map}, {transform_indices = #map}]} {
    %mul3A = arith.constant 16 : i32
    %mul3A_0 = arith.muli %arg0, %mul3A : i32
    %add3A = arith.addi %mul3A_0, %arg1 : i32
    %mul3A_1 = arith.constant 80 : i32
    %mul3A_2 = arith.muli %add3A, %mul3A_1 : i32
    "tpu.region"() ({
      %run_scoped3A = tpu.sem_alloc : memref<!tpu.dma_semaphore, #tpu.memory_space<semaphore_mem>>
      %dma_start3A = arith.constant 0 : i32
      %dma_start3A_71 = tpu.memref_slice %arg2[%mul3A_2, %dma_start3A] : memref<2560x128xi32, #tpu.memory_space<hbm>> -> memref<80x128xi32, #tpu.memory_space<hbm>>
      %dma_start3A_72 = arith.constant 0 : i32
      %dma_start3A_73 = tpu.memref_slice %arg2[%mul3A_2, %dma_start3A_72] : memref<2560x128xi32, #tpu.memory_space<hbm>> -> memref<80x128xi32, #tpu.memory_space<hbm>>
      tpu.enqueue_dma source(%dma_start3A_73 : memref<80x128xi32, #tpu.memory_space<hbm>>) target(%arg4 : memref<80x128xi32, #tpu.memory_space<vmem>>) target_semaphore(%run_scoped3A : memref<!tpu.dma_semaphore, #tpu.memory_space<semaphore_mem>>)
      %dma_wait3A = arith.constant 0 : i32
      %dma_wait3A_74 = tpu.memref_slice %arg2[%mul3A_2, %dma_wait3A] : memref<2560x128xi32, #tpu.memory_space<hbm>> -> memref<80x128xi32, #tpu.memory_space<hbm>>
      %dma_wait3A_75 = arith.constant 0 : i32
      %dma_wait3A_76 = tpu.memref_slice %arg2[%mul3A_2, %dma_wait3A_75] : memref<2560x128xi32, #tpu.memory_space<hbm>> -> memref<80x128xi32, #tpu.memory_space<hbm>>
      tpu.wait_dma2 semaphore(%run_scoped3A : memref<!tpu.dma_semaphore, #tpu.memory_space<semaphore_mem>>) src(%dma_wait3A_76 : memref<80x128xi32, #tpu.memory_space<hbm>>) dst(%arg4 : memref<80x128xi32, #tpu.memory_space<vmem>>)
      tpu.yield
    }) : () -> ()
    %scan3A = arith.constant 0 : i32
    %scan3A_3 = arith.constant 0 : i32
    %scan3A_4 = arith.constant 128 : i32
    %scan3A_5 = arith.addi %scan3A_3, %scan3A_4 : i32
    %scan3A_6 = arith.constant 1 : i32
    %scan3A_7 = scf.for %scan3A_71 = %scan3A_3 to %scan3A_5 step %scan3A_6 iter_args(%scan3A_72 = %scan3A) -> (i32)  : i32 {
      %broadcast_in_dim3A = arith.constant 1.000000e+00 : f32
      %broadcast_in_dim3A_73 = vector.broadcast %broadcast_in_dim3A : f32 to vector<16xf32>
      %swap3A = arith.index_cast %scan3A_71 : i32 to index
      %swap3A_74 = arith.constant 0 : index
      %swap3A_75 = tpu.vector_load %arg5[%swap3A, %swap3A_74] {strides = array<i32>} : memref<128x16xf32, #tpu.memory_space<vmem>>, vector<1x16xf32>,
      %swap3A_76 = vector.shape_cast %swap3A_75 : vector<1x16xf32> to vector<16xf32>
      %swap3A_77 = vector.shape_cast %broadcast_in_dim3A_73 : vector<16xf32> to vector<1x16xf32>
      tpu.vector_store %arg5[%swap3A, %swap3A_74], %swap3A_77 {strides = array<i32>} : memref<128x16xf32, #tpu.memory_space<vmem>>, vector<1x16xf32>,
      %scan3A_78 = arith.constant 0 : i32
      scf.yield %scan3A_78 : i32
    }
    %scan3A_8 = arith.constant 128 : i32
    %scan3A_9 = arith.constant 0 : i32
    %scan3A_10 = arith.constant 0 : i32
    %scan3A_11 = arith.constant 64 : i32
    %scan3A_12 = arith.addi %scan3A_10, %scan3A_11 : i32
    %scan3A_13 = arith.constant 1 : i32
    %scan3A_14 = scf.for %scan3A_71 = %scan3A_10 to %scan3A_12 step %scan3A_13 iter_args(%scan3A_72 = %scan3A_9) -> (i32)  : i32 {
      %broadcast_in_dim3A = arith.constant 0.000000e+00 : f32
      %broadcast_in_dim3A_73 = vector.broadcast %broadcast_in_dim3A : f32 to vector<16xf32>
      %swap3A = arith.index_cast %scan3A_71 : i32 to index
      %swap3A_74 = arith.constant 0 : index
      %swap3A_75 = tpu.vector_load %arg6[%swap3A, %swap3A_74] {strides = array<i32>} : memref<64x16xf32, #tpu.memory_space<vmem>>, vector<1x16xf32>,
      %swap3A_76 = vector.shape_cast %swap3A_75 : vector<1x16xf32> to vector<16xf32>
      %swap3A_77 = vector.shape_cast %broadcast_in_dim3A_73 : vector<16xf32> to vector<1x16xf32>
      tpu.vector_store %arg6[%swap3A, %swap3A_74], %swap3A_77 {strides = array<i32>} : memref<64x16xf32, #tpu.memory_space<vmem>>, vector<1x16xf32>,
      %scan3A_78 = arith.constant 0 : i32
      scf.yield %scan3A_78 : i32
    }
    %scan3A_15 = arith.constant 64 : i32
    %mul3A_16 = arith.constant 640 : i32
    %mul3A_17 = arith.muli %arg1, %mul3A_16 : i32
    %add3A_18 = arith.constant 0 : i32
    %add3A_19 = arith.addi %mul3A_17, %add3A_18 : i32
    "tpu.region"() ({
      %run_scoped3A = tpu.sem_alloc : memref<!tpu.dma_semaphore, #tpu.memory_space<semaphore_mem>>
      %dma_start3A = arith.constant 0 : i32
      %dma_start3A_71 = tpu.memref_slice %arg7[%add3A_19, %dma_start3A] : memref<10240x16xf32, #tpu.memory_space<vmem_shared>> -> memref<64x16xf32, #tpu.memory_space<vmem_shared>>
      %dma_start3A_72 = arith.constant 0 : i32
      %dma_start3A_73 = tpu.memref_slice %arg7[%add3A_19, %dma_start3A_72] : memref<10240x16xf32, #tpu.memory_space<vmem_shared>> -> memref<64x16xf32, #tpu.memory_space<vmem_shared>>
      tpu.enqueue_dma source(%arg6 : memref<64x16xf32, #tpu.memory_space<vmem>>) target(%dma_start3A_73 : memref<64x16xf32, #tpu.memory_space<vmem_shared>>) target_semaphore(%run_scoped3A : memref<!tpu.dma_semaphore, #tpu.memory_space<semaphore_mem>>)
      %dma_wait3A = arith.constant 0 : i32
      %dma_wait3A_74 = tpu.memref_slice %arg7[%add3A_19, %dma_wait3A] : memref<10240x16xf32, #tpu.memory_space<vmem_shared>> -> memref<64x16xf32, #tpu.memory_space<vmem_shared>>
      %dma_wait3A_75 = arith.constant 0 : i32
      %dma_wait3A_76 = tpu.memref_slice %arg7[%add3A_19, %dma_wait3A_75] : memref<10240x16xf32, #tpu.memory_space<vmem_shared>> -> memref<64x16xf32, #tpu.memory_space<vmem_shared>>
      tpu.wait_dma2 semaphore(%run_scoped3A : memref<!tpu.dma_semaphore, #tpu.memory_space<semaphore_mem>>) src(%arg6 : memref<64x16xf32, #tpu.memory_space<vmem>>) dst(%dma_wait3A_76 : memref<64x16xf32, #tpu.memory_space<vmem_shared>>)
      tpu.yield
    }) : () -> ()
    %mul3A_20 = arith.constant 640 : i32
    %mul3A_21 = arith.muli %arg1, %mul3A_20 : i32
    %add3A_22 = arith.constant 64 : i32
    %add3A_23 = arith.addi %mul3A_21, %add3A_22 : i32
    "tpu.region"() ({
      %run_scoped3A = tpu.sem_alloc : memref<!tpu.dma_semaphore, #tpu.memory_space<semaphore_mem>>
      %dma_start3A = arith.constant 0 : i32
      %dma_start3A_71 = tpu.memref_slice %arg7[%add3A_23, %dma_start3A] : memref<10240x16xf32, #tpu.memory_space<vmem_shared>> -> memref<64x16xf32, #tpu.memory_space<vmem_shared>>
      %dma_start3A_72 = arith.constant 0 : i32
      %dma_start3A_73 = tpu.memref_slice %arg7[%add3A_23, %dma_start3A_72] : memref<10240x16xf32, #tpu.memory_space<vmem_shared>> -> memref<64x16xf32, #tpu.memory_space<vmem_shared>>
      tpu.enqueue_dma source(%arg6 : memref<64x16xf32, #tpu.memory_space<vmem>>) target(%dma_start3A_73 : memref<64x16xf32, #tpu.memory_space<vmem_shared>>) target_semaphore(%run_scoped3A : memref<!tpu.dma_semaphore, #tpu.memory_space<semaphore_mem>>)
      %dma_wait3A = arith.constant 0 : i32
      %dma_wait3A_74 = tpu.memref_slice %arg7[%add3A_23, %dma_wait3A] : memref<10240x16xf32, #tpu.memory_space<vmem_shared>> -> memref<64x16xf32, #tpu.memory_space<vmem_shared>>
      %dma_wait3A_75 = arith.constant 0 : i32
      %dma_wait3A_76 = tpu.memref_slice %arg7[%add3A_23, %dma_wait3A_75] : memref<10240x16xf32, #tpu.memory_space<vmem_shared>> -> memref<64x16xf32, #tpu.memory_space<vmem_shared>>
      tpu.wait_dma2 semaphore(%run_scoped3A : memref<!tpu.dma_semaphore, #tpu.memory_space<semaphore_mem>>) src(%arg6 : memref<64x16xf32, #tpu.memory_space<vmem>>) dst(%dma_wait3A_76 : memref<64x16xf32, #tpu.memory_space<vmem_shared>>)
      tpu.yield
    }) : () -> ()
    %mul3A_24 = arith.constant 640 : i32
    %mul3A_25 = arith.muli %arg1, %mul3A_24 : i32
    %add3A_26 = arith.constant 128 : i32
    %add3A_27 = arith.addi %mul3A_25, %add3A_26 : i32
    "tpu.region"() ({
      %run_scoped3A = tpu.sem_alloc : memref<!tpu.dma_semaphore, #tpu.memory_space<semaphore_mem>>
      %dma_start3A = arith.constant 0 : i32
      %dma_start3A_71 = tpu.memref_slice %arg7[%add3A_27, %dma_start3A] : memref<10240x16xf32, #tpu.memory_space<vmem_shared>> -> memref<64x16xf32, #tpu.memory_space<vmem_shared>>
      %dma_start3A_72 = arith.constant 0 : i32
      %dma_start3A_73 = tpu.memref_slice %arg7[%add3A_27, %dma_start3A_72] : memref<10240x16xf32, #tpu.memory_space<vmem_shared>> -> memref<64x16xf32, #tpu.memory_space<vmem_shared>>
      tpu.enqueue_dma source(%arg6 : memref<64x16xf32, #tpu.memory_space<vmem>>) target(%dma_start3A_73 : memref<64x16xf32, #tpu.memory_space<vmem_shared>>) target_semaphore(%run_scoped3A : memref<!tpu.dma_semaphore, #tpu.memory_space<semaphore_mem>>)
      %dma_wait3A = arith.constant 0 : i32
      %dma_wait3A_74 = tpu.memref_slice %arg7[%add3A_27, %dma_wait3A] : memref<10240x16xf32, #tpu.memory_space<vmem_shared>> -> memref<64x16xf32, #tpu.memory_space<vmem_shared>>
      %dma_wait3A_75 = arith.constant 0 : i32
      %dma_wait3A_76 = tpu.memref_slice %arg7[%add3A_27, %dma_wait3A_75] : memref<10240x16xf32, #tpu.memory_space<vmem_shared>> -> memref<64x16xf32, #tpu.memory_space<vmem_shared>>
      tpu.wait_dma2 semaphore(%run_scoped3A : memref<!tpu.dma_semaphore, #tpu.memory_space<semaphore_mem>>) src(%arg6 : memref<64x16xf32, #tpu.memory_space<vmem>>) dst(%dma_wait3A_76 : memref<64x16xf32, #tpu.memory_space<vmem_shared>>)
      tpu.yield
    }) : () -> ()
    %mul3A_28 = arith.constant 640 : i32
    %mul3A_29 = arith.muli %arg1, %mul3A_28 : i32
    %add3A_30 = arith.constant 192 : i32
    %add3A_31 = arith.addi %mul3A_29, %add3A_30 : i32
    "tpu.region"() ({
      %run_scoped3A = tpu.sem_alloc : memref<!tpu.dma_semaphore, #tpu.memory_space<semaphore_mem>>
      %dma_start3A = arith.constant 0 : i32
      %dma_start3A_71 = tpu.memref_slice %arg7[%add3A_31, %dma_start3A] : memref<10240x16xf32, #tpu.memory_space<vmem_shared>> -> memref<64x16xf32, #tpu.memory_space<vmem_shared>>
      %dma_start3A_72 = arith.constant 0 : i32
      %dma_start3A_73 = tpu.memref_slice %arg7[%add3A_31, %dma_start3A_72] : memref<10240x16xf32, #tpu.memory_space<vmem_shared>> -> memref<64x16xf32, #tpu.memory_space<vmem_shared>>
      tpu.enqueue_dma source(%arg6 : memref<64x16xf32, #tpu.memory_space<vmem>>) target(%dma_start3A_73 : memref<64x16xf32, #tpu.memory_space<vmem_shared>>) target_semaphore(%run_scoped3A : memref<!tpu.dma_semaphore, #tpu.memory_space<semaphore_mem>>)
      %dma_wait3A = arith.constant 0 : i32
      %dma_wait3A_74 = tpu.memref_slice %arg7[%add3A_31, %dma_wait3A] : memref<10240x16xf32, #tpu.memory_space<vmem_shared>> -> memref<64x16xf32, #tpu.memory_space<vmem_shared>>
      %dma_wait3A_75 = arith.constant 0 : i32
      %dma_wait3A_76 = tpu.memref_slice %arg7[%add3A_31, %dma_wait3A_75] : memref<10240x16xf32, #tpu.memory_space<vmem_shared>> -> memref<64x16xf32, #tpu.memory_space<vmem_shared>>
      tpu.wait_dma2 semaphore(%run_scoped3A : memref<!tpu.dma_semaphore, #tpu.memory_space<semaphore_mem>>) src(%arg6 : memref<64x16xf32, #tpu.memory_space<vmem>>) dst(%dma_wait3A_76 : memref<64x16xf32, #tpu.memory_space<vmem_shared>>)
      tpu.yield
    }) : () -> ()
    %mul3A_32 = arith.constant 640 : i32
    %mul3A_33 = arith.muli %arg1, %mul3A_32 : i32
    %add3A_34 = arith.constant 256 : i32
    %add3A_35 = arith.addi %mul3A_33, %add3A_34 : i32
    "tpu.region"() ({
      %run_scoped3A = tpu.sem_alloc : memref<!tpu.dma_semaphore, #tpu.memory_space<semaphore_mem>>
      %dma_start3A = arith.constant 0 : i32
      %dma_start3A_71 = tpu.memref_slice %arg7[%add3A_35, %dma_start3A] : memref<10240x16xf32, #tpu.memory_space<vmem_shared>> -> memref<64x16xf32, #tpu.memory_space<vmem_shared>>
      %dma_start3A_72 = arith.constant 0 : i32
      %dma_start3A_73 = tpu.memref_slice %arg7[%add3A_35, %dma_start3A_72] : memref<10240x16xf32, #tpu.memory_space<vmem_shared>> -> memref<64x16xf32, #tpu.memory_space<vmem_shared>>
      tpu.enqueue_dma source(%arg6 : memref<64x16xf32, #tpu.memory_space<vmem>>) target(%dma_start3A_73 : memref<64x16xf32, #tpu.memory_space<vmem_shared>>) target_semaphore(%run_scoped3A : memref<!tpu.dma_semaphore, #tpu.memory_space<semaphore_mem>>)
      %dma_wait3A = arith.constant 0 : i32
      %dma_wait3A_74 = tpu.memref_slice %arg7[%add3A_35, %dma_wait3A] : memref<10240x16xf32, #tpu.memory_space<vmem_shared>> -> memref<64x16xf32, #tpu.memory_space<vmem_shared>>
      %dma_wait3A_75 = arith.constant 0 : i32
      %dma_wait3A_76 = tpu.memref_slice %arg7[%add3A_35, %dma_wait3A_75] : memref<10240x16xf32, #tpu.memory_space<vmem_shared>> -> memref<64x16xf32, #tpu.memory_space<vmem_shared>>
      tpu.wait_dma2 semaphore(%run_scoped3A : memref<!tpu.dma_semaphore, #tpu.memory_space<semaphore_mem>>) src(%arg6 : memref<64x16xf32, #tpu.memory_space<vmem>>) dst(%dma_wait3A_76 : memref<64x16xf32, #tpu.memory_space<vmem_shared>>)
      tpu.yield
    }) : () -> ()
    %mul3A_36 = arith.constant 640 : i32
    %mul3A_37 = arith.muli %arg1, %mul3A_36 : i32
    %add3A_38 = arith.constant 320 : i32
    %add3A_39 = arith.addi %mul3A_37, %add3A_38 : i32
    "tpu.region"() ({
      %run_scoped3A = tpu.sem_alloc : memref<!tpu.dma_semaphore, #tpu.memory_space<semaphore_mem>>
      %dma_start3A = arith.constant 0 : i32
      %dma_start3A_71 = tpu.memref_slice %arg7[%add3A_39, %dma_start3A] : memref<10240x16xf32, #tpu.memory_space<vmem_shared>> -> memref<64x16xf32, #tpu.memory_space<vmem_shared>>
      %dma_start3A_72 = arith.constant 0 : i32
      %dma_start3A_73 = tpu.memref_slice %arg7[%add3A_39, %dma_start3A_72] : memref<10240x16xf32, #tpu.memory_space<vmem_shared>> -> memref<64x16xf32, #tpu.memory_space<vmem_shared>>
      tpu.enqueue_dma source(%arg6 : memref<64x16xf32, #tpu.memory_space<vmem>>) target(%dma_start3A_73 : memref<64x16xf32, #tpu.memory_space<vmem_shared>>) target_semaphore(%run_scoped3A : memref<!tpu.dma_semaphore, #tpu.memory_space<semaphore_mem>>)
      %dma_wait3A = arith.constant 0 : i32
      %dma_wait3A_74 = tpu.memref_slice %arg7[%add3A_39, %dma_wait3A] : memref<10240x16xf32, #tpu.memory_space<vmem_shared>> -> memref<64x16xf32, #tpu.memory_space<vmem_shared>>
      %dma_wait3A_75 = arith.constant 0 : i32
      %dma_wait3A_76 = tpu.memref_slice %arg7[%add3A_39, %dma_wait3A_75] : memref<10240x16xf32, #tpu.memory_space<vmem_shared>> -> memref<64x16xf32, #tpu.memory_space<vmem_shared>>
      tpu.wait_dma2 semaphore(%run_scoped3A : memref<!tpu.dma_semaphore, #tpu.memory_space<semaphore_mem>>) src(%arg6 : memref<64x16xf32, #tpu.memory_space<vmem>>) dst(%dma_wait3A_76 : memref<64x16xf32, #tpu.memory_space<vmem_shared>>)
      tpu.yield
    }) : () -> ()
    %mul3A_40 = arith.constant 640 : i32
    %mul3A_41 = arith.muli %arg1, %mul3A_40 : i32
    %add3A_42 = arith.constant 384 : i32
    %add3A_43 = arith.addi %mul3A_41, %add3A_42 : i32
    "tpu.region"() ({
      %run_scoped3A = tpu.sem_alloc : memref<!tpu.dma_semaphore, #tpu.memory_space<semaphore_mem>>
      %dma_start3A = arith.constant 0 : i32
      %dma_start3A_71 = tpu.memref_slice %arg7[%add3A_43, %dma_start3A] : memref<10240x16xf32, #tpu.memory_space<vmem_shared>> -> memref<64x16xf32, #tpu.memory_space<vmem_shared>>
      %dma_start3A_72 = arith.constant 0 : i32
      %dma_start3A_73 = tpu.memref_slice %arg7[%add3A_43, %dma_start3A_72] : memref<10240x16xf32, #tpu.memory_space<vmem_shared>> -> memref<64x16xf32, #tpu.memory_space<vmem_shared>>
      tpu.enqueue_dma source(%arg6 : memref<64x16xf32, #tpu.memory_space<vmem>>) target(%dma_start3A_73 : memref<64x16xf32, #tpu.memory_space<vmem_shared>>) target_semaphore(%run_scoped3A : memref<!tpu.dma_semaphore, #tpu.memory_space<semaphore_mem>>)
      %dma_wait3A = arith.constant 0 : i32
      %dma_wait3A_74 = tpu.memref_slice %arg7[%add3A_43, %dma_wait3A] : memref<10240x16xf32, #tpu.memory_space<vmem_shared>> -> memref<64x16xf32, #tpu.memory_space<vmem_shared>>
      %dma_wait3A_75 = arith.constant 0 : i32
      %dma_wait3A_76 = tpu.memref_slice %arg7[%add3A_43, %dma_wait3A_75] : memref<10240x16xf32, #tpu.memory_space<vmem_shared>> -> memref<64x16xf32, #tpu.memory_space<vmem_shared>>
      tpu.wait_dma2 semaphore(%run_scoped3A : memref<!tpu.dma_semaphore, #tpu.memory_space<semaphore_mem>>) src(%arg6 : memref<64x16xf32, #tpu.memory_space<vmem>>) dst(%dma_wait3A_76 : memref<64x16xf32, #tpu.memory_space<vmem_shared>>)
      tpu.yield
    }) : () -> ()
    %mul3A_44 = arith.constant 640 : i32
    %mul3A_45 = arith.muli %arg1, %mul3A_44 : i32
    %add3A_46 = arith.constant 448 : i32
    %add3A_47 = arith.addi %mul3A_45, %add3A_46 : i32
    "tpu.region"() ({
      %run_scoped3A = tpu.sem_alloc : memref<!tpu.dma_semaphore, #tpu.memory_space<semaphore_mem>>
      %dma_start3A = arith.constant 0 : i32
      %dma_start3A_71 = tpu.memref_slice %arg7[%add3A_47, %dma_start3A] : memref<10240x16xf32, #tpu.memory_space<vmem_shared>> -> memref<64x16xf32, #tpu.memory_space<vmem_shared>>
      %dma_start3A_72 = arith.constant 0 : i32
      %dma_start3A_73 = tpu.memref_slice %arg7[%add3A_47, %dma_start3A_72] : memref<10240x16xf32, #tpu.memory_space<vmem_shared>> -> memref<64x16xf32, #tpu.memory_space<vmem_shared>>
      tpu.enqueue_dma source(%arg6 : memref<64x16xf32, #tpu.memory_space<vmem>>) target(%dma_start3A_73 : memref<64x16xf32, #tpu.memory_space<vmem_shared>>) target_semaphore(%run_scoped3A : memref<!tpu.dma_semaphore, #tpu.memory_space<semaphore_mem>>)
      %dma_wait3A = arith.constant 0 : i32
      %dma_wait3A_74 = tpu.memref_slice %arg7[%add3A_47, %dma_wait3A] : memref<10240x16xf32, #tpu.memory_space<vmem_shared>> -> memref<64x16xf32, #tpu.memory_space<vmem_shared>>
      %dma_wait3A_75 = arith.constant 0 : i32
      %dma_wait3A_76 = tpu.memref_slice %arg7[%add3A_47, %dma_wait3A_75] : memref<10240x16xf32, #tpu.memory_space<vmem_shared>> -> memref<64x16xf32, #tpu.memory_space<vmem_shared>>
      tpu.wait_dma2 semaphore(%run_scoped3A : memref<!tpu.dma_semaphore, #tpu.memory_space<semaphore_mem>>) src(%arg6 : memref<64x16xf32, #tpu.memory_space<vmem>>) dst(%dma_wait3A_76 : memref<64x16xf32, #tpu.memory_space<vmem_shared>>)
      tpu.yield
    }) : () -> ()
    %mul3A_48 = arith.constant 640 : i32
    %mul3A_49 = arith.muli %arg1, %mul3A_48 : i32
    %add3A_50 = arith.constant 512 : i32
    %add3A_51 = arith.addi %mul3A_49, %add3A_50 : i32
    "tpu.region"() ({
      %run_scoped3A = tpu.sem_alloc : memref<!tpu.dma_semaphore, #tpu.memory_space<semaphore_mem>>
      %dma_start3A = arith.constant 0 : i32
      %dma_start3A_71 = tpu.memref_slice %arg7[%add3A_51, %dma_start3A] : memref<10240x16xf32, #tpu.memory_space<vmem_shared>> -> memref<64x16xf32, #tpu.memory_space<vmem_shared>>
      %dma_start3A_72 = arith.constant 0 : i32
      %dma_start3A_73 = tpu.memref_slice %arg7[%add3A_51, %dma_start3A_72] : memref<10240x16xf32, #tpu.memory_space<vmem_shared>> -> memref<64x16xf32, #tpu.memory_space<vmem_shared>>
      tpu.enqueue_dma source(%arg6 : memref<64x16xf32, #tpu.memory_space<vmem>>) target(%dma_start3A_73 : memref<64x16xf32, #tpu.memory_space<vmem_shared>>) target_semaphore(%run_scoped3A : memref<!tpu.dma_semaphore, #tpu.memory_space<semaphore_mem>>)
      %dma_wait3A = arith.constant 0 : i32
      %dma_wait3A_74 = tpu.memref_slice %arg7[%add3A_51, %dma_wait3A] : memref<10240x16xf32, #tpu.memory_space<vmem_shared>> -> memref<64x16xf32, #tpu.memory_space<vmem_shared>>
      %dma_wait3A_75 = arith.constant 0 : i32
      %dma_wait3A_76 = tpu.memref_slice %arg7[%add3A_51, %dma_wait3A_75] : memref<10240x16xf32, #tpu.memory_space<vmem_shared>> -> memref<64x16xf32, #tpu.memory_space<vmem_shared>>
      tpu.wait_dma2 semaphore(%run_scoped3A : memref<!tpu.dma_semaphore, #tpu.memory_space<semaphore_mem>>) src(%arg6 : memref<64x16xf32, #tpu.memory_space<vmem>>) dst(%dma_wait3A_76 : memref<64x16xf32, #tpu.memory_space<vmem_shared>>)
      tpu.yield
    }) : () -> ()
    %mul3A_52 = arith.constant 640 : i32
    %mul3A_53 = arith.muli %arg1, %mul3A_52 : i32
    %add3A_54 = arith.constant 576 : i32
    %add3A_55 = arith.addi %mul3A_53, %add3A_54 : i32
    "tpu.region"() ({
      %run_scoped3A = tpu.sem_alloc : memref<!tpu.dma_semaphore, #tpu.memory_space<semaphore_mem>>
      %dma_start3A = arith.constant 0 : i32
      %dma_start3A_71 = tpu.memref_slice %arg7[%add3A_55, %dma_start3A] : memref<10240x16xf32, #tpu.memory_space<vmem_shared>> -> memref<64x16xf32, #tpu.memory_space<vmem_shared>>
      %dma_start3A_72 = arith.constant 0 : i32
      %dma_start3A_73 = tpu.memref_slice %arg7[%add3A_55, %dma_start3A_72] : memref<10240x16xf32, #tpu.memory_space<vmem_shared>> -> memref<64x16xf32, #tpu.memory_space<vmem_shared>>
      tpu.enqueue_dma source(%arg6 : memref<64x16xf32, #tpu.memory_space<vmem>>) target(%dma_start3A_73 : memref<64x16xf32, #tpu.memory_space<vmem_shared>>) target_semaphore(%run_scoped3A : memref<!tpu.dma_semaphore, #tpu.memory_space<semaphore_mem>>)
      %dma_wait3A = arith.constant 0 : i32
      %dma_wait3A_74 = tpu.memref_slice %arg7[%add3A_55, %dma_wait3A] : memref<10240x16xf32, #tpu.memory_space<vmem_shared>> -> memref<64x16xf32, #tpu.memory_space<vmem_shared>>
      %dma_wait3A_75 = arith.constant 0 : i32
      %dma_wait3A_76 = tpu.memref_slice %arg7[%add3A_55, %dma_wait3A_75] : memref<10240x16xf32, #tpu.memory_space<vmem_shared>> -> memref<64x16xf32, #tpu.memory_space<vmem_shared>>
      tpu.wait_dma2 semaphore(%run_scoped3A : memref<!tpu.dma_semaphore, #tpu.memory_space<semaphore_mem>>) src(%arg6 : memref<64x16xf32, #tpu.memory_space<vmem>>) dst(%dma_wait3A_76 : memref<64x16xf32, #tpu.memory_space<vmem_shared>>)
      tpu.yield
    }) : () -> ()
    %barrier3A = arith.constant 0 : index
    tpu.barrier barrier_id(%barrier3A)
    %scan3A_56 = arith.constant 0 : i32
    %scan3A_57 = arith.constant 0 : i32
    %scan3A_58 = arith.constant 80 : i32
    %scan3A_59 = arith.addi %scan3A_57, %scan3A_58 : i32
    %scan3A_60 = arith.constant 1 : i32
    %scan3A_61 = scf.for %scan3A_71 = %scan3A_57 to %scan3A_59 step %scan3A_60 iter_args(%scan3A_72 = %scan3A_56) -> (i32)  : i32 {
      "tpu.region"() ({
        %run_scoped3A = tpu.sem_alloc : memref<!tpu.dma_semaphore, #tpu.memory_space<semaphore_mem>>
        %dma_start3A = arith.constant 0 : i32
        %dma_start3A_74 = tpu.memref_slice %arg4[%scan3A_71, %dma_start3A] : memref<80x128xi32, #tpu.memory_space<vmem>> -> memref<1x128xi32, #tpu.memory_space<vmem>>
        %dma_start3A_75 = tpu.memref_squeeze %dma_start3A_74 : memref<1x128xi32, #tpu.memory_space<vmem>> -> memref<128xi32, #tpu.memory_space<vmem>>
        %dma_start3A_76 = arith.constant 0 : i32
        %dma_start3A_77 = arith.constant 0 : i32
        %dma_start3A_78 = tpu.memref_slice %arg7[%dma_start3A_76, %dma_start3A_77] : memref<10240x16xf32, #tpu.memory_space<vmem_shared>> -> memref<10240x16xf32, #tpu.memory_space<vmem_shared>>
        tpu.enqueue_indirect_dma source(%arg5 : memref<128x16xf32, #tpu.memory_space<vmem>>) target(%dma_start3A_78 : memref<10240x16xf32, #tpu.memory_space<vmem_shared>>) offsets(%dma_start3A_75 : memref<128xi32, #tpu.memory_space<vmem>>) semaphore(%run_scoped3A : memref<!tpu.dma_semaphore, #tpu.memory_space<semaphore_mem>>) {add = true}
        %dma_wait3A = arith.constant 0 : i32
        %dma_wait3A_79 = tpu.memref_slice %arg4[%scan3A_71, %dma_wait3A] : memref<80x128xi32, #tpu.memory_space<vmem>> -> memref<1x128xi32, #tpu.memory_space<vmem>>
        %dma_wait3A_80 = tpu.memref_squeeze %dma_wait3A_79 : memref<1x128xi32, #tpu.memory_space<vmem>> -> memref<128xi32, #tpu.memory_space<vmem>>
        %dma_wait3A_81 = arith.constant 0 : i32
        %dma_wait3A_82 = arith.constant 0 : i32
        %dma_wait3A_83 = tpu.memref_slice %arg7[%dma_wait3A_81, %dma_wait3A_82] : memref<10240x16xf32, #tpu.memory_space<vmem_shared>> -> memref<10240x16xf32, #tpu.memory_space<vmem_shared>>
        tpu.wait_indirect_dma semaphore(%run_scoped3A : memref<!tpu.dma_semaphore, #tpu.memory_space<semaphore_mem>>) src(%arg5 : memref<128x16xf32, #tpu.memory_space<vmem>>) dst(%dma_wait3A_83 : memref<10240x16xf32, #tpu.memory_space<vmem_shared>>)
        tpu.yield
      }) : () -> ()
      %scan3A_73 = arith.constant 0 : i32
      scf.yield %scan3A_73 : i32
    }
    %scan3A_62 = arith.constant 80 : i32
    %barrier3A_63 = arith.constant 0 : index
    tpu.barrier barrier_id(%barrier3A_63)
    %mul3A_64 = arith.constant 640 : i32
    %mul3A_65 = arith.muli %arg1, %mul3A_64 : i32
    %mul3A_66 = arith.constant 10240 : i32
    %mul3A_67 = arith.muli %arg0, %mul3A_66 : i32
    %mul3A_68 = arith.constant 640 : i32
    %mul3A_69 = arith.muli %arg1, %mul3A_68 : i32
    %add3A_70 = arith.addi %mul3A_67, %mul3A_69 : i32
    "tpu.region"() ({
      %run_scoped3A = tpu.sem_alloc : memref<!tpu.dma_semaphore, #tpu.memory_space<semaphore_mem>>
      %dma_start3A = arith.constant 0 : i32
      %dma_start3A_71 = tpu.memref_slice %arg3[%add3A_70, %dma_start3A] : memref<20480x16xf32, #tpu.memory_space<hbm>> -> memref<640x16xf32, #tpu.memory_space<hbm>>
      %dma_start3A_72 = arith.constant 0 : i32
      %dma_start3A_73 = tpu.memref_slice %arg7[%mul3A_65, %dma_start3A_72] : memref<10240x16xf32, #tpu.memory_space<vmem_shared>> -> memref<640x16xf32, #tpu.memory_space<vmem_shared>>
      tpu.enqueue_dma source(%dma_start3A_73 : memref<640x16xf32, #tpu.memory_space<vmem_shared>>) target(%dma_start3A_71 : memref<640x16xf32, #tpu.memory_space<hbm>>) target_semaphore(%run_scoped3A : memref<!tpu.dma_semaphore, #tpu.memory_space<semaphore_mem>>)
      %dma_wait3A = arith.constant 0 : i32
      %dma_wait3A_74 = tpu.memref_slice %arg3[%add3A_70, %dma_wait3A] : memref<20480x16xf32, #tpu.memory_space<hbm>> -> memref<640x16xf32, #tpu.memory_space<hbm>>
      %dma_wait3A_75 = arith.constant 0 : i32
      %dma_wait3A_76 = tpu.memref_slice %arg7[%mul3A_65, %dma_wait3A_75] : memref<10240x16xf32, #tpu.memory_space<vmem_shared>> -> memref<640x16xf32, #tpu.memory_space<vmem_shared>>
      tpu.wait_dma2 semaphore(%run_scoped3A : memref<!tpu.dma_semaphore, #tpu.memory_space<semaphore_mem>>) src(%dma_wait3A_76 : memref<640x16xf32, #tpu.memory_space<vmem_shared>>) dst(%dma_wait3A_74 : memref<640x16xf32, #tpu.memory_space<hbm>>)
      tpu.yield
    }) : () -> ()
    return
  }
}

#map = affine_map<(d0, d1) -> (0, 0)>
module attributes {stable_mosaic.version = 14 : i64} {
  func.func @k(%arg0: i32, %arg1: i32, %arg2: memref<10240x128xf32, #tpu.memory_space<hbm>>, %arg3: memref<2560x128xi32, #tpu.memory_space<hbm>>, %arg4: memref<2560x128xi32, #tpu.memory_space<hbm>>, %arg5: memref<20480x128xf32, #tpu.memory_space<hbm>>, %arg6: memref<40x128xi32, #tpu.memory_space<vmem>>, %arg7: memref<40x128xi32, #tpu.memory_space<vmem>>, %arg8: memref<128x128xf32, #tpu.memory_space<vmem>>, %arg9: memref<128x128xf32, #tpu.memory_space<vmem>>, %arg10: memref<10240x128xf32, #tpu.memory_space<vmem_shared>>, %arg11: memref<!tpu.dma_semaphore, #tpu.memory_space<semaphore_mem>>, %arg12: memref<!tpu.dma_semaphore, #tpu.memory_space<semaphore_mem>>, %arg13: memref<!tpu.dma_semaphore, #tpu.memory_space<semaphore_mem>>, %arg14: memref<!tpu.dma_semaphore, #tpu.memory_space<semaphore_mem>>) attributes {dimension_semantics = [#tpu.dimension_semantics<core_parallel>, #tpu.dimension_semantics<subcore_parallel>], iteration_bounds = array<i64: 2, 16>, scalar_prefetch = 0 : i64, scratch_operands = 9 : i64, tpu.core_type = #tpu.core_type<sc_vector_subcore>, window_params = [{transform_indices = #map}, {transform_indices = #map}, {transform_indices = #map}, {transform_indices = #map}]} {
    %mul3A = arith.constant 16 : i32
    %mul3A_0 = arith.muli %arg0, %mul3A : i32
    %add3A = arith.addi %mul3A_0, %arg1 : i32
    %scan3A = arith.constant 0 : i32
    %scan3A_1 = arith.constant 0 : i32
    %scan3A_2 = arith.constant 1024 : i32
    %scan3A_3 = arith.addi %scan3A_1, %scan3A_2 : i32
    %scan3A_4 = arith.constant 1 : i32
    %scan3A_5 = scf.for %scan3A_65 = %scan3A_1 to %scan3A_3 step %scan3A_4 iter_args(%scan3A_66 = %scan3A) -> (i32)  : i32 {
      %jit3A = arith.constant 8 : i32
      %div3A = arith.divsi %scan3A_65, %jit3A : i32
      %sign3A = arith.constant 0 : i32
      %sign3A_67 = arith.cmpi sgt, %scan3A_65, %sign3A : i32
      %sign3A_68 = arith.extui %sign3A_67 : i1 to i32
      %sign3A_69 = arith.constant 0 : i32
      %sign3A_70 = arith.cmpi slt, %scan3A_65, %sign3A_69 : i32
      %sign3A_71 = arith.extui %sign3A_70 : i1 to i32
      %sign3A_72 = arith.subi %sign3A_68, %sign3A_71 : i32
      %sign3A_73 = arith.constant 0 : i32
      %sign3A_74 = arith.cmpi sgt, %jit3A, %sign3A_73 : i32
      %sign3A_75 = arith.extui %sign3A_74 : i1 to i32
      %sign3A_76 = arith.constant 0 : i32
      %sign3A_77 = arith.cmpi slt, %jit3A, %sign3A_76 : i32
      %sign3A_78 = arith.extui %sign3A_77 : i1 to i32
      %sign3A_79 = arith.subi %sign3A_75, %sign3A_78 : i32
      %ne3A = arith.cmpi ne, %sign3A_72, %sign3A_79 : i32
      %rem3A = arith.remsi %scan3A_65, %jit3A : i32
      %ne3A_80 = arith.constant 0 : i32
      %ne3A_81 = arith.cmpi ne, %rem3A, %ne3A_80 : i32
      %and3A = arith.andi %ne3A, %ne3A_81 : i1
      %sub3A = arith.constant 1 : i32
      %sub3A_82 = arith.subi %div3A, %sub3A : i32
      %select_n3A = arith.select %and3A, %sub3A_82, %div3A : i32
      %rem3A_83 = arith.constant 8 : i32
      %rem3A_84 = arith.remsi %scan3A_65, %rem3A_83 : i32
      %broadcast_in_dim3A = arith.constant 0.000000e+00 : f32
      %broadcast_in_dim3A_85 = vector.broadcast %broadcast_in_dim3A : f32 to vector<16xf32>
      %mul3A_86 = arith.constant 16 : i32
      %mul3A_87 = arith.muli %rem3A_84, %mul3A_86 : i32
      %swap3A = arith.index_cast %select_n3A : i32 to index
      %swap3A_88 = arith.index_cast %mul3A_87 : i32 to index
      %swap3A_89 = tpu.vector_load %arg8[%swap3A, %swap3A_88] {strides = array<i32>} : memref<128x128xf32, #tpu.memory_space<vmem>>, vector<1x16xf32>,
      %swap3A_90 = vector.shape_cast %swap3A_89 : vector<1x16xf32> to vector<16xf32>
      %swap3A_91 = vector.shape_cast %broadcast_in_dim3A_85 : vector<16xf32> to vector<1x16xf32>
      tpu.vector_store %arg8[%swap3A, %swap3A_88], %swap3A_91 {strides = array<i32>} : memref<128x128xf32, #tpu.memory_space<vmem>>, vector<1x16xf32>,
      %scan3A_92 = arith.constant 0 : i32
      scf.yield %scan3A_92 : i32
    }
    %scan3A_6 = arith.constant 1024 : i32
    %scan3A_7 = arith.constant 0 : i32
    %scan3A_8 = arith.constant 0 : i32
    %scan3A_9 = arith.constant 5 : i32
    %scan3A_10 = arith.addi %scan3A_8, %scan3A_9 : i32
    %scan3A_11 = arith.constant 1 : i32
    %scan3A_12 = scf.for %scan3A_65 = %scan3A_8 to %scan3A_10 step %scan3A_11 iter_args(%scan3A_66 = %scan3A_7) -> (i32)  : i32 {
      %mul3A_67 = arith.constant 640 : i32
      %mul3A_68 = arith.muli %arg1, %mul3A_67 : i32
      %mul3A_69 = arith.constant 128 : i32
      %mul3A_70 = arith.muli %scan3A_65, %mul3A_69 : i32
      %add3A_71 = arith.addi %mul3A_68, %mul3A_70 : i32
      "tpu.region"() ({
        %run_scoped3A = tpu.sem_alloc : memref<!tpu.dma_semaphore, #tpu.memory_space<semaphore_mem>>
        %dma_start3A_73 = arith.constant 0 : i32
        %dma_start3A_74 = tpu.memref_slice %arg10[%add3A_71, %dma_start3A_73] : memref<10240x128xf32, #tpu.memory_space<vmem_shared>> -> memref<128x128xf32, #tpu.memory_space<vmem_shared>>
        %dma_start3A_75 = arith.constant 0 : i32
        %dma_start3A_76 = tpu.memref_slice %arg10[%add3A_71, %dma_start3A_75] : memref<10240x128xf32, #tpu.memory_space<vmem_shared>> -> memref<128x128xf32, #tpu.memory_space<vmem_shared>>
        tpu.enqueue_dma source(%arg8 : memref<128x128xf32, #tpu.memory_space<vmem>>) target(%dma_start3A_76 : memref<128x128xf32, #tpu.memory_space<vmem_shared>>) target_semaphore(%run_scoped3A : memref<!tpu.dma_semaphore, #tpu.memory_space<semaphore_mem>>)
        %dma_wait3A = arith.constant 0 : i32
        %dma_wait3A_77 = tpu.memref_slice %arg10[%add3A_71, %dma_wait3A] : memref<10240x128xf32, #tpu.memory_space<vmem_shared>> -> memref<128x128xf32, #tpu.memory_space<vmem_shared>>
        %dma_wait3A_78 = arith.constant 0 : i32
        %dma_wait3A_79 = tpu.memref_slice %arg10[%add3A_71, %dma_wait3A_78] : memref<10240x128xf32, #tpu.memory_space<vmem_shared>> -> memref<128x128xf32, #tpu.memory_space<vmem_shared>>
        tpu.wait_dma2 semaphore(%run_scoped3A : memref<!tpu.dma_semaphore, #tpu.memory_space<semaphore_mem>>) src(%arg8 : memref<128x128xf32, #tpu.memory_space<vmem>>) dst(%dma_wait3A_79 : memref<128x128xf32, #tpu.memory_space<vmem_shared>>)
        tpu.yield
      }) : () -> ()
      %scan3A_72 = arith.constant 0 : i32
      scf.yield %scan3A_72 : i32
    }
    %scan3A_13 = arith.constant 5 : i32
    %barrier3A = arith.constant 0 : index
    tpu.barrier barrier_id(%barrier3A)
    %mul3A_14 = arith.constant 80 : i32
    %mul3A_15 = arith.muli %add3A, %mul3A_14 : i32
    %add3A_16 = arith.constant 0 : i32
    %add3A_17 = arith.addi %mul3A_15, %add3A_16 : i32
    "tpu.region"() ({
      %run_scoped3A = tpu.sem_alloc : memref<!tpu.dma_semaphore, #tpu.memory_space<semaphore_mem>>
      %dma_start3A_65 = arith.constant 0 : i32
      %dma_start3A_66 = tpu.memref_slice %arg3[%add3A_17, %dma_start3A_65] : memref<2560x128xi32, #tpu.memory_space<hbm>> -> memref<40x128xi32, #tpu.memory_space<hbm>>
      %dma_start3A_67 = arith.constant 0 : i32
      %dma_start3A_68 = tpu.memref_slice %arg3[%add3A_17, %dma_start3A_67] : memref<2560x128xi32, #tpu.memory_space<hbm>> -> memref<40x128xi32, #tpu.memory_space<hbm>>
      tpu.enqueue_dma source(%dma_start3A_68 : memref<40x128xi32, #tpu.memory_space<hbm>>) target(%arg6 : memref<40x128xi32, #tpu.memory_space<vmem>>) target_semaphore(%run_scoped3A : memref<!tpu.dma_semaphore, #tpu.memory_space<semaphore_mem>>)
      %dma_wait3A = arith.constant 0 : i32
      %dma_wait3A_69 = tpu.memref_slice %arg3[%add3A_17, %dma_wait3A] : memref<2560x128xi32, #tpu.memory_space<hbm>> -> memref<40x128xi32, #tpu.memory_space<hbm>>
      %dma_wait3A_70 = arith.constant 0 : i32
      %dma_wait3A_71 = tpu.memref_slice %arg3[%add3A_17, %dma_wait3A_70] : memref<2560x128xi32, #tpu.memory_space<hbm>> -> memref<40x128xi32, #tpu.memory_space<hbm>>
      tpu.wait_dma2 semaphore(%run_scoped3A : memref<!tpu.dma_semaphore, #tpu.memory_space<semaphore_mem>>) src(%dma_wait3A_71 : memref<40x128xi32, #tpu.memory_space<hbm>>) dst(%arg6 : memref<40x128xi32, #tpu.memory_space<vmem>>)
      tpu.yield
    }) : () -> ()
    %mul3A_18 = arith.constant 80 : i32
    %mul3A_19 = arith.muli %add3A, %mul3A_18 : i32
    %add3A_20 = arith.constant 0 : i32
    %add3A_21 = arith.addi %mul3A_19, %add3A_20 : i32
    "tpu.region"() ({
      %run_scoped3A = tpu.sem_alloc : memref<!tpu.dma_semaphore, #tpu.memory_space<semaphore_mem>>
      %dma_start3A_65 = arith.constant 0 : i32
      %dma_start3A_66 = tpu.memref_slice %arg4[%add3A_21, %dma_start3A_65] : memref<2560x128xi32, #tpu.memory_space<hbm>> -> memref<40x128xi32, #tpu.memory_space<hbm>>
      %dma_start3A_67 = arith.constant 0 : i32
      %dma_start3A_68 = tpu.memref_slice %arg4[%add3A_21, %dma_start3A_67] : memref<2560x128xi32, #tpu.memory_space<hbm>> -> memref<40x128xi32, #tpu.memory_space<hbm>>
      tpu.enqueue_dma source(%dma_start3A_68 : memref<40x128xi32, #tpu.memory_space<hbm>>) target(%arg7 : memref<40x128xi32, #tpu.memory_space<vmem>>) target_semaphore(%run_scoped3A : memref<!tpu.dma_semaphore, #tpu.memory_space<semaphore_mem>>)
      %dma_wait3A = arith.constant 0 : i32
      %dma_wait3A_69 = tpu.memref_slice %arg4[%add3A_21, %dma_wait3A] : memref<2560x128xi32, #tpu.memory_space<hbm>> -> memref<40x128xi32, #tpu.memory_space<hbm>>
      %dma_wait3A_70 = arith.constant 0 : i32
      %dma_wait3A_71 = tpu.memref_slice %arg4[%add3A_21, %dma_wait3A_70] : memref<2560x128xi32, #tpu.memory_space<hbm>> -> memref<40x128xi32, #tpu.memory_space<hbm>>
      tpu.wait_dma2 semaphore(%run_scoped3A : memref<!tpu.dma_semaphore, #tpu.memory_space<semaphore_mem>>) src(%dma_wait3A_71 : memref<40x128xi32, #tpu.memory_space<hbm>>) dst(%arg7 : memref<40x128xi32, #tpu.memory_space<vmem>>)
      tpu.yield
    }) : () -> ()
    %dma_start3A = arith.constant 0 : i32
    %dma_start3A_22 = arith.constant 0 : i32
    %dma_start3A_23 = tpu.memref_slice %arg6[%dma_start3A, %dma_start3A_22] : memref<40x128xi32, #tpu.memory_space<vmem>> -> memref<1x128xi32, #tpu.memory_space<vmem>>
    %dma_start3A_24 = tpu.memref_squeeze %dma_start3A_23 : memref<1x128xi32, #tpu.memory_space<vmem>> -> memref<128xi32, #tpu.memory_space<vmem>>
    %dma_start3A_25 = arith.constant 0 : i32
    %dma_start3A_26 = arith.constant 0 : i32
    %dma_start3A_27 = tpu.memref_slice %arg2[%dma_start3A_25, %dma_start3A_26] : memref<10240x128xf32, #tpu.memory_space<hbm>> -> memref<10240x128xf32, #tpu.memory_space<hbm>>
    tpu.enqueue_indirect_dma source(%dma_start3A_27 : memref<10240x128xf32, #tpu.memory_space<hbm>>) target(%arg8 : memref<128x128xf32, #tpu.memory_space<vmem>>) offsets(%dma_start3A_24 : memref<128xi32, #tpu.memory_space<vmem>>) semaphore(%arg11 : memref<!tpu.dma_semaphore, #tpu.memory_space<semaphore_mem>>)
    %scan3A_28 = arith.constant 0 : i32
    %scan3A_29 = arith.constant 0 : i32
    %scan3A_30 = arith.constant 20 : i32
    %scan3A_31 = arith.addi %scan3A_29, %scan3A_30 : i32
    %scan3A_32 = arith.constant 1 : i32
    %scan3A_33 = scf.for %scan3A_65 = %scan3A_29 to %scan3A_31 step %scan3A_32 iter_args(%scan3A_66 = %scan3A_28) -> (i32)  : i32 {
      %mul3A_67 = arith.constant 2 : i32
      %mul3A_68 = arith.muli %mul3A_67, %scan3A_65 : i32
      %add3A_69 = arith.constant 0 : i32
      %add3A_70 = arith.addi %mul3A_68, %add3A_69 : i32
      %add3A_71 = arith.constant 1 : i32
      %add3A_72 = arith.addi %add3A_70, %add3A_71 : i32
      %lt3A = arith.constant 40 : i32
      %lt3A_73 = arith.cmpi slt, %add3A_72, %lt3A : i32
      %convert_element_type3A = arith.extui %lt3A_73 : i1 to i32
      %cond3A = arith.constant 0 : i32
      %cond3A_74 = arith.cmpi ne, %convert_element_type3A, %cond3A : i32
      scf.if %cond3A_74 {
        %dma_start3A_98 = arith.constant 0 : i32
        %dma_start3A_99 = tpu.memref_slice %arg6[%add3A_72, %dma_start3A_98] : memref<40x128xi32, #tpu.memory_space<vmem>> -> memref<1x128xi32, #tpu.memory_space<vmem>>
        %dma_start3A_100 = tpu.memref_squeeze %dma_start3A_99 : memref<1x128xi32, #tpu.memory_space<vmem>> -> memref<128xi32, #tpu.memory_space<vmem>>
        %dma_start3A_101 = arith.constant 0 : i32
        %dma_start3A_102 = arith.constant 0 : i32
        %dma_start3A_103 = tpu.memref_slice %arg2[%dma_start3A_101, %dma_start3A_102] : memref<10240x128xf32, #tpu.memory_space<hbm>> -> memref<10240x128xf32, #tpu.memory_space<hbm>>
        tpu.enqueue_indirect_dma source(%dma_start3A_103 : memref<10240x128xf32, #tpu.memory_space<hbm>>) target(%arg9 : memref<128x128xf32, #tpu.memory_space<vmem>>) offsets(%dma_start3A_100 : memref<128xi32, #tpu.memory_space<vmem>>) semaphore(%arg12 : memref<!tpu.dma_semaphore, #tpu.memory_space<semaphore_mem>>)
      } else {
      }
      %dma_wait3A = arith.constant 0 : i32
      %dma_wait3A_75 = tpu.memref_slice %arg6[%add3A_70, %dma_wait3A] : memref<40x128xi32, #tpu.memory_space<vmem>> -> memref<1x128xi32, #tpu.memory_space<vmem>>
      %dma_wait3A_76 = tpu.memref_squeeze %dma_wait3A_75 : memref<1x128xi32, #tpu.memory_space<vmem>> -> memref<128xi32, #tpu.memory_space<vmem>>
      %dma_wait3A_77 = arith.constant 0 : i32
      %dma_wait3A_78 = arith.constant 0 : i32
      %dma_wait3A_79 = tpu.memref_slice %arg2[%dma_wait3A_77, %dma_wait3A_78] : memref<10240x128xf32, #tpu.memory_space<hbm>> -> memref<10240x128xf32, #tpu.memory_space<hbm>>
      tpu.wait_indirect_dma semaphore(%arg11 : memref<!tpu.dma_semaphore, #tpu.memory_space<semaphore_mem>>) src(%dma_wait3A_79 : memref<10240x128xf32, #tpu.memory_space<hbm>>) dst(%arg8 : memref<128x128xf32, #tpu.memory_space<vmem>>)
      "tpu.region"() ({
        %run_scoped3A = tpu.sem_alloc : memref<!tpu.dma_semaphore, #tpu.memory_space<semaphore_mem>>
        %dma_start3A_98 = arith.constant 0 : i32
        %dma_start3A_99 = tpu.memref_slice %arg7[%add3A_70, %dma_start3A_98] : memref<40x128xi32, #tpu.memory_space<vmem>> -> memref<1x128xi32, #tpu.memory_space<vmem>>
        %dma_start3A_100 = tpu.memref_squeeze %dma_start3A_99 : memref<1x128xi32, #tpu.memory_space<vmem>> -> memref<128xi32, #tpu.memory_space<vmem>>
        %dma_start3A_101 = arith.constant 0 : i32
        %dma_start3A_102 = arith.constant 0 : i32
        %dma_start3A_103 = tpu.memref_slice %arg10[%dma_start3A_101, %dma_start3A_102] : memref<10240x128xf32, #tpu.memory_space<vmem_shared>> -> memref<10240x128xf32, #tpu.memory_space<vmem_shared>>
        tpu.enqueue_indirect_dma source(%arg8 : memref<128x128xf32, #tpu.memory_space<vmem>>) target(%dma_start3A_103 : memref<10240x128xf32, #tpu.memory_space<vmem_shared>>) offsets(%dma_start3A_100 : memref<128xi32, #tpu.memory_space<vmem>>) semaphore(%run_scoped3A : memref<!tpu.dma_semaphore, #tpu.memory_space<semaphore_mem>>) {add = true}
        %dma_wait3A_104 = arith.constant 0 : i32
        %dma_wait3A_105 = tpu.memref_slice %arg7[%add3A_70, %dma_wait3A_104] : memref<40x128xi32, #tpu.memory_space<vmem>> -> memref<1x128xi32, #tpu.memory_space<vmem>>
        %dma_wait3A_106 = tpu.memref_squeeze %dma_wait3A_105 : memref<1x128xi32, #tpu.memory_space<vmem>> -> memref<128xi32, #tpu.memory_space<vmem>>
        %dma_wait3A_107 = arith.constant 0 : i32
        %dma_wait3A_108 = arith.constant 0 : i32
        %dma_wait3A_109 = tpu.memref_slice %arg10[%dma_wait3A_107, %dma_wait3A_108] : memref<10240x128xf32, #tpu.memory_space<vmem_shared>> -> memref<10240x128xf32, #tpu.memory_space<vmem_shared>>
        tpu.wait_indirect_dma semaphore(%run_scoped3A : memref<!tpu.dma_semaphore, #tpu.memory_space<semaphore_mem>>) src(%arg8 : memref<128x128xf32, #tpu.memory_space<vmem>>) dst(%dma_wait3A_109 : memref<10240x128xf32, #tpu.memory_space<vmem_shared>>)
        tpu.yield
      }) : () -> ()
      %mul3A_80 = arith.constant 2 : i32
      %mul3A_81 = arith.muli %mul3A_80, %scan3A_65 : i32
      %add3A_82 = arith.constant 1 : i32
      %add3A_83 = arith.addi %mul3A_81, %add3A_82 : i32
      %add3A_84 = arith.constant 1 : i32
      %add3A_85 = arith.addi %add3A_83, %add3A_84 : i32
      %lt3A_86 = arith.constant 40 : i32
      %lt3A_87 = arith.cmpi slt, %add3A_85, %lt3A_86 : i32
      %convert_element_type3A_88 = arith.extui %lt3A_87 : i1 to i32
      %cond3A_89 = arith.constant 0 : i32
      %cond3A_90 = arith.cmpi ne, %convert_element_type3A_88, %cond3A_89 : i32
      scf.if %cond3A_90 {
        %dma_start3A_98 = arith.constant 0 : i32
        %dma_start3A_99 = tpu.memref_slice %arg6[%add3A_85, %dma_start3A_98] : memref<40x128xi32, #tpu.memory_space<vmem>> -> memref<1x128xi32, #tpu.memory_space<vmem>>
        %dma_start3A_100 = tpu.memref_squeeze %dma_start3A_99 : memref<1x128xi32, #tpu.memory_space<vmem>> -> memref<128xi32, #tpu.memory_space<vmem>>
        %dma_start3A_101 = arith.constant 0 : i32
        %dma_start3A_102 = arith.constant 0 : i32
        %dma_start3A_103 = tpu.memref_slice %arg2[%dma_start3A_101, %dma_start3A_102] : memref<10240x128xf32, #tpu.memory_space<hbm>> -> memref<10240x128xf32, #tpu.memory_space<hbm>>
        tpu.enqueue_indirect_dma source(%dma_start3A_103 : memref<10240x128xf32, #tpu.memory_space<hbm>>) target(%arg8 : memref<128x128xf32, #tpu.memory_space<vmem>>) offsets(%dma_start3A_100 : memref<128xi32, #tpu.memory_space<vmem>>) semaphore(%arg11 : memref<!tpu.dma_semaphore, #tpu.memory_space<semaphore_mem>>)
      } else {
      }
      %dma_wait3A_91 = arith.constant 0 : i32
      %dma_wait3A_92 = tpu.memref_slice %arg6[%add3A_83, %dma_wait3A_91] : memref<40x128xi32, #tpu.memory_space<vmem>> -> memref<1x128xi32, #tpu.memory_space<vmem>>
      %dma_wait3A_93 = tpu.memref_squeeze %dma_wait3A_92 : memref<1x128xi32, #tpu.memory_space<vmem>> -> memref<128xi32, #tpu.memory_space<vmem>>
      %dma_wait3A_94 = arith.constant 0 : i32
      %dma_wait3A_95 = arith.constant 0 : i32
      %dma_wait3A_96 = tpu.memref_slice %arg2[%dma_wait3A_94, %dma_wait3A_95] : memref<10240x128xf32, #tpu.memory_space<hbm>> -> memref<10240x128xf32, #tpu.memory_space<hbm>>
      tpu.wait_indirect_dma semaphore(%arg12 : memref<!tpu.dma_semaphore, #tpu.memory_space<semaphore_mem>>) src(%dma_wait3A_96 : memref<10240x128xf32, #tpu.memory_space<hbm>>) dst(%arg9 : memref<128x128xf32, #tpu.memory_space<vmem>>)
      "tpu.region"() ({
        %run_scoped3A = tpu.sem_alloc : memref<!tpu.dma_semaphore, #tpu.memory_space<semaphore_mem>>
        %dma_start3A_98 = arith.constant 0 : i32
        %dma_start3A_99 = tpu.memref_slice %arg7[%add3A_83, %dma_start3A_98] : memref<40x128xi32, #tpu.memory_space<vmem>> -> memref<1x128xi32, #tpu.memory_space<vmem>>
        %dma_start3A_100 = tpu.memref_squeeze %dma_start3A_99 : memref<1x128xi32, #tpu.memory_space<vmem>> -> memref<128xi32, #tpu.memory_space<vmem>>
        %dma_start3A_101 = arith.constant 0 : i32
        %dma_start3A_102 = arith.constant 0 : i32
        %dma_start3A_103 = tpu.memref_slice %arg10[%dma_start3A_101, %dma_start3A_102] : memref<10240x128xf32, #tpu.memory_space<vmem_shared>> -> memref<10240x128xf32, #tpu.memory_space<vmem_shared>>
        tpu.enqueue_indirect_dma source(%arg9 : memref<128x128xf32, #tpu.memory_space<vmem>>) target(%dma_start3A_103 : memref<10240x128xf32, #tpu.memory_space<vmem_shared>>) offsets(%dma_start3A_100 : memref<128xi32, #tpu.memory_space<vmem>>) semaphore(%run_scoped3A : memref<!tpu.dma_semaphore, #tpu.memory_space<semaphore_mem>>) {add = true}
        %dma_wait3A_104 = arith.constant 0 : i32
        %dma_wait3A_105 = tpu.memref_slice %arg7[%add3A_83, %dma_wait3A_104] : memref<40x128xi32, #tpu.memory_space<vmem>> -> memref<1x128xi32, #tpu.memory_space<vmem>>
        %dma_wait3A_106 = tpu.memref_squeeze %dma_wait3A_105 : memref<1x128xi32, #tpu.memory_space<vmem>> -> memref<128xi32, #tpu.memory_space<vmem>>
        %dma_wait3A_107 = arith.constant 0 : i32
        %dma_wait3A_108 = arith.constant 0 : i32
        %dma_wait3A_109 = tpu.memref_slice %arg10[%dma_wait3A_107, %dma_wait3A_108] : memref<10240x128xf32, #tpu.memory_space<vmem_shared>> -> memref<10240x128xf32, #tpu.memory_space<vmem_shared>>
        tpu.wait_indirect_dma semaphore(%run_scoped3A : memref<!tpu.dma_semaphore, #tpu.memory_space<semaphore_mem>>) src(%arg9 : memref<128x128xf32, #tpu.memory_space<vmem>>) dst(%dma_wait3A_109 : memref<10240x128xf32, #tpu.memory_space<vmem_shared>>)
        tpu.yield
      }) : () -> ()
      %scan3A_97 = arith.constant 0 : i32
      scf.yield %scan3A_97 : i32
    }
    %scan3A_34 = arith.constant 20 : i32
    %mul3A_35 = arith.constant 80 : i32
    %mul3A_36 = arith.muli %add3A, %mul3A_35 : i32
    %add3A_37 = arith.constant 40 : i32
    %add3A_38 = arith.addi %mul3A_36, %add3A_37 : i32
    "tpu.region"() ({
      %run_scoped3A = tpu.sem_alloc : memref<!tpu.dma_semaphore, #tpu.memory_space<semaphore_mem>>
      %dma_start3A_65 = arith.constant 0 : i32
      %dma_start3A_66 = tpu.memref_slice %arg3[%add3A_38, %dma_start3A_65] : memref<2560x128xi32, #tpu.memory_space<hbm>> -> memref<40x128xi32, #tpu.memory_space<hbm>>
      %dma_start3A_67 = arith.constant 0 : i32
      %dma_start3A_68 = tpu.memref_slice %arg3[%add3A_38, %dma_start3A_67] : memref<2560x128xi32, #tpu.memory_space<hbm>> -> memref<40x128xi32, #tpu.memory_space<hbm>>
      tpu.enqueue_dma source(%dma_start3A_68 : memref<40x128xi32, #tpu.memory_space<hbm>>) target(%arg6 : memref<40x128xi32, #tpu.memory_space<vmem>>) target_semaphore(%run_scoped3A : memref<!tpu.dma_semaphore, #tpu.memory_space<semaphore_mem>>)
      %dma_wait3A = arith.constant 0 : i32
      %dma_wait3A_69 = tpu.memref_slice %arg3[%add3A_38, %dma_wait3A] : memref<2560x128xi32, #tpu.memory_space<hbm>> -> memref<40x128xi32, #tpu.memory_space<hbm>>
      %dma_wait3A_70 = arith.constant 0 : i32
      %dma_wait3A_71 = tpu.memref_slice %arg3[%add3A_38, %dma_wait3A_70] : memref<2560x128xi32, #tpu.memory_space<hbm>> -> memref<40x128xi32, #tpu.memory_space<hbm>>
      tpu.wait_dma2 semaphore(%run_scoped3A : memref<!tpu.dma_semaphore, #tpu.memory_space<semaphore_mem>>) src(%dma_wait3A_71 : memref<40x128xi32, #tpu.memory_space<hbm>>) dst(%arg6 : memref<40x128xi32, #tpu.memory_space<vmem>>)
      tpu.yield
    }) : () -> ()
    %mul3A_39 = arith.constant 80 : i32
    %mul3A_40 = arith.muli %add3A, %mul3A_39 : i32
    %add3A_41 = arith.constant 40 : i32
    %add3A_42 = arith.addi %mul3A_40, %add3A_41 : i32
    "tpu.region"() ({
      %run_scoped3A = tpu.sem_alloc : memref<!tpu.dma_semaphore, #tpu.memory_space<semaphore_mem>>
      %dma_start3A_65 = arith.constant 0 : i32
      %dma_start3A_66 = tpu.memref_slice %arg4[%add3A_42, %dma_start3A_65] : memref<2560x128xi32, #tpu.memory_space<hbm>> -> memref<40x128xi32, #tpu.memory_space<hbm>>
      %dma_start3A_67 = arith.constant 0 : i32
      %dma_start3A_68 = tpu.memref_slice %arg4[%add3A_42, %dma_start3A_67] : memref<2560x128xi32, #tpu.memory_space<hbm>> -> memref<40x128xi32, #tpu.memory_space<hbm>>
      tpu.enqueue_dma source(%dma_start3A_68 : memref<40x128xi32, #tpu.memory_space<hbm>>) target(%arg7 : memref<40x128xi32, #tpu.memory_space<vmem>>) target_semaphore(%run_scoped3A : memref<!tpu.dma_semaphore, #tpu.memory_space<semaphore_mem>>)
      %dma_wait3A = arith.constant 0 : i32
      %dma_wait3A_69 = tpu.memref_slice %arg4[%add3A_42, %dma_wait3A] : memref<2560x128xi32, #tpu.memory_space<hbm>> -> memref<40x128xi32, #tpu.memory_space<hbm>>
      %dma_wait3A_70 = arith.constant 0 : i32
      %dma_wait3A_71 = tpu.memref_slice %arg4[%add3A_42, %dma_wait3A_70] : memref<2560x128xi32, #tpu.memory_space<hbm>> -> memref<40x128xi32, #tpu.memory_space<hbm>>
      tpu.wait_dma2 semaphore(%run_scoped3A : memref<!tpu.dma_semaphore, #tpu.memory_space<semaphore_mem>>) src(%dma_wait3A_71 : memref<40x128xi32, #tpu.memory_space<hbm>>) dst(%arg7 : memref<40x128xi32, #tpu.memory_space<vmem>>)
      tpu.yield
    }) : () -> ()
    %dma_start3A_43 = arith.constant 0 : i32
    %dma_start3A_44 = arith.constant 0 : i32
    %dma_start3A_45 = tpu.memref_slice %arg6[%dma_start3A_43, %dma_start3A_44] : memref<40x128xi32, #tpu.memory_space<vmem>> -> memref<1x128xi32, #tpu.memory_space<vmem>>
    %dma_start3A_46 = tpu.memref_squeeze %dma_start3A_45 : memref<1x128xi32, #tpu.memory_space<vmem>> -> memref<128xi32, #tpu.memory_space<vmem>>
    %dma_start3A_47 = arith.constant 0 : i32
    %dma_start3A_48 = arith.constant 0 : i32
    %dma_start3A_49 = tpu.memref_slice %arg2[%dma_start3A_47, %dma_start3A_48] : memref<10240x128xf32, #tpu.memory_space<hbm>> -> memref<10240x128xf32, #tpu.memory_space<hbm>>
    tpu.enqueue_indirect_dma source(%dma_start3A_49 : memref<10240x128xf32, #tpu.memory_space<hbm>>) target(%arg8 : memref<128x128xf32, #tpu.memory_space<vmem>>) offsets(%dma_start3A_46 : memref<128xi32, #tpu.memory_space<vmem>>) semaphore(%arg11 : memref<!tpu.dma_semaphore, #tpu.memory_space<semaphore_mem>>)
    %scan3A_50 = arith.constant 0 : i32
    %scan3A_51 = arith.constant 0 : i32
    %scan3A_52 = arith.constant 20 : i32
    %scan3A_53 = arith.addi %scan3A_51, %scan3A_52 : i32
    %scan3A_54 = arith.constant 1 : i32
    %scan3A_55 = scf.for %scan3A_65 = %scan3A_51 to %scan3A_53 step %scan3A_54 iter_args(%scan3A_66 = %scan3A_50) -> (i32)  : i32 {
      %mul3A_67 = arith.constant 2 : i32
      %mul3A_68 = arith.muli %mul3A_67, %scan3A_65 : i32
      %add3A_69 = arith.constant 0 : i32
      %add3A_70 = arith.addi %mul3A_68, %add3A_69 : i32
      %add3A_71 = arith.constant 1 : i32
      %add3A_72 = arith.addi %add3A_70, %add3A_71 : i32
      %lt3A = arith.constant 40 : i32
      %lt3A_73 = arith.cmpi slt, %add3A_72, %lt3A : i32
      %convert_element_type3A = arith.extui %lt3A_73 : i1 to i32
      %cond3A = arith.constant 0 : i32
      %cond3A_74 = arith.cmpi ne, %convert_element_type3A, %cond3A : i32
      scf.if %cond3A_74 {
        %dma_start3A_98 = arith.constant 0 : i32
        %dma_start3A_99 = tpu.memref_slice %arg6[%add3A_72, %dma_start3A_98] : memref<40x128xi32, #tpu.memory_space<vmem>> -> memref<1x128xi32, #tpu.memory_space<vmem>>
        %dma_start3A_100 = tpu.memref_squeeze %dma_start3A_99 : memref<1x128xi32, #tpu.memory_space<vmem>> -> memref<128xi32, #tpu.memory_space<vmem>>
        %dma_start3A_101 = arith.constant 0 : i32
        %dma_start3A_102 = arith.constant 0 : i32
        %dma_start3A_103 = tpu.memref_slice %arg2[%dma_start3A_101, %dma_start3A_102] : memref<10240x128xf32, #tpu.memory_space<hbm>> -> memref<10240x128xf32, #tpu.memory_space<hbm>>
        tpu.enqueue_indirect_dma source(%dma_start3A_103 : memref<10240x128xf32, #tpu.memory_space<hbm>>) target(%arg9 : memref<128x128xf32, #tpu.memory_space<vmem>>) offsets(%dma_start3A_100 : memref<128xi32, #tpu.memory_space<vmem>>) semaphore(%arg12 : memref<!tpu.dma_semaphore, #tpu.memory_space<semaphore_mem>>)
      } else {
      }
      %dma_wait3A = arith.constant 0 : i32
      %dma_wait3A_75 = tpu.memref_slice %arg6[%add3A_70, %dma_wait3A] : memref<40x128xi32, #tpu.memory_space<vmem>> -> memref<1x128xi32, #tpu.memory_space<vmem>>
      %dma_wait3A_76 = tpu.memref_squeeze %dma_wait3A_75 : memref<1x128xi32, #tpu.memory_space<vmem>> -> memref<128xi32, #tpu.memory_space<vmem>>
      %dma_wait3A_77 = arith.constant 0 : i32
      %dma_wait3A_78 = arith.constant 0 : i32
      %dma_wait3A_79 = tpu.memref_slice %arg2[%dma_wait3A_77, %dma_wait3A_78] : memref<10240x128xf32, #tpu.memory_space<hbm>> -> memref<10240x128xf32, #tpu.memory_space<hbm>>
      tpu.wait_indirect_dma semaphore(%arg11 : memref<!tpu.dma_semaphore, #tpu.memory_space<semaphore_mem>>) src(%dma_wait3A_79 : memref<10240x128xf32, #tpu.memory_space<hbm>>) dst(%arg8 : memref<128x128xf32, #tpu.memory_space<vmem>>)
      "tpu.region"() ({
        %run_scoped3A = tpu.sem_alloc : memref<!tpu.dma_semaphore, #tpu.memory_space<semaphore_mem>>
        %dma_start3A_98 = arith.constant 0 : i32
        %dma_start3A_99 = tpu.memref_slice %arg7[%add3A_70, %dma_start3A_98] : memref<40x128xi32, #tpu.memory_space<vmem>> -> memref<1x128xi32, #tpu.memory_space<vmem>>
        %dma_start3A_100 = tpu.memref_squeeze %dma_start3A_99 : memref<1x128xi32, #tpu.memory_space<vmem>> -> memref<128xi32, #tpu.memory_space<vmem>>
        %dma_start3A_101 = arith.constant 0 : i32
        %dma_start3A_102 = arith.constant 0 : i32
        %dma_start3A_103 = tpu.memref_slice %arg10[%dma_start3A_101, %dma_start3A_102] : memref<10240x128xf32, #tpu.memory_space<vmem_shared>> -> memref<10240x128xf32, #tpu.memory_space<vmem_shared>>
        tpu.enqueue_indirect_dma source(%arg8 : memref<128x128xf32, #tpu.memory_space<vmem>>) target(%dma_start3A_103 : memref<10240x128xf32, #tpu.memory_space<vmem_shared>>) offsets(%dma_start3A_100 : memref<128xi32, #tpu.memory_space<vmem>>) semaphore(%run_scoped3A : memref<!tpu.dma_semaphore, #tpu.memory_space<semaphore_mem>>) {add = true}
        %dma_wait3A_104 = arith.constant 0 : i32
        %dma_wait3A_105 = tpu.memref_slice %arg7[%add3A_70, %dma_wait3A_104] : memref<40x128xi32, #tpu.memory_space<vmem>> -> memref<1x128xi32, #tpu.memory_space<vmem>>
        %dma_wait3A_106 = tpu.memref_squeeze %dma_wait3A_105 : memref<1x128xi32, #tpu.memory_space<vmem>> -> memref<128xi32, #tpu.memory_space<vmem>>
        %dma_wait3A_107 = arith.constant 0 : i32
        %dma_wait3A_108 = arith.constant 0 : i32
        %dma_wait3A_109 = tpu.memref_slice %arg10[%dma_wait3A_107, %dma_wait3A_108] : memref<10240x128xf32, #tpu.memory_space<vmem_shared>> -> memref<10240x128xf32, #tpu.memory_space<vmem_shared>>
        tpu.wait_indirect_dma semaphore(%run_scoped3A : memref<!tpu.dma_semaphore, #tpu.memory_space<semaphore_mem>>) src(%arg8 : memref<128x128xf32, #tpu.memory_space<vmem>>) dst(%dma_wait3A_109 : memref<10240x128xf32, #tpu.memory_space<vmem_shared>>)
        tpu.yield
      }) : () -> ()
      %mul3A_80 = arith.constant 2 : i32
      %mul3A_81 = arith.muli %mul3A_80, %scan3A_65 : i32
      %add3A_82 = arith.constant 1 : i32
      %add3A_83 = arith.addi %mul3A_81, %add3A_82 : i32
      %add3A_84 = arith.constant 1 : i32
      %add3A_85 = arith.addi %add3A_83, %add3A_84 : i32
      %lt3A_86 = arith.constant 40 : i32
      %lt3A_87 = arith.cmpi slt, %add3A_85, %lt3A_86 : i32
      %convert_element_type3A_88 = arith.extui %lt3A_87 : i1 to i32
      %cond3A_89 = arith.constant 0 : i32
      %cond3A_90 = arith.cmpi ne, %convert_element_type3A_88, %cond3A_89 : i32
      scf.if %cond3A_90 {
        %dma_start3A_98 = arith.constant 0 : i32
        %dma_start3A_99 = tpu.memref_slice %arg6[%add3A_85, %dma_start3A_98] : memref<40x128xi32, #tpu.memory_space<vmem>> -> memref<1x128xi32, #tpu.memory_space<vmem>>
        %dma_start3A_100 = tpu.memref_squeeze %dma_start3A_99 : memref<1x128xi32, #tpu.memory_space<vmem>> -> memref<128xi32, #tpu.memory_space<vmem>>
        %dma_start3A_101 = arith.constant 0 : i32
        %dma_start3A_102 = arith.constant 0 : i32
        %dma_start3A_103 = tpu.memref_slice %arg2[%dma_start3A_101, %dma_start3A_102] : memref<10240x128xf32, #tpu.memory_space<hbm>> -> memref<10240x128xf32, #tpu.memory_space<hbm>>
        tpu.enqueue_indirect_dma source(%dma_start3A_103 : memref<10240x128xf32, #tpu.memory_space<hbm>>) target(%arg8 : memref<128x128xf32, #tpu.memory_space<vmem>>) offsets(%dma_start3A_100 : memref<128xi32, #tpu.memory_space<vmem>>) semaphore(%arg11 : memref<!tpu.dma_semaphore, #tpu.memory_space<semaphore_mem>>)
      } else {
      }
      %dma_wait3A_91 = arith.constant 0 : i32
      %dma_wait3A_92 = tpu.memref_slice %arg6[%add3A_83, %dma_wait3A_91] : memref<40x128xi32, #tpu.memory_space<vmem>> -> memref<1x128xi32, #tpu.memory_space<vmem>>
      %dma_wait3A_93 = tpu.memref_squeeze %dma_wait3A_92 : memref<1x128xi32, #tpu.memory_space<vmem>> -> memref<128xi32, #tpu.memory_space<vmem>>
      %dma_wait3A_94 = arith.constant 0 : i32
      %dma_wait3A_95 = arith.constant 0 : i32
      %dma_wait3A_96 = tpu.memref_slice %arg2[%dma_wait3A_94, %dma_wait3A_95] : memref<10240x128xf32, #tpu.memory_space<hbm>> -> memref<10240x128xf32, #tpu.memory_space<hbm>>
      tpu.wait_indirect_dma semaphore(%arg12 : memref<!tpu.dma_semaphore, #tpu.memory_space<semaphore_mem>>) src(%dma_wait3A_96 : memref<10240x128xf32, #tpu.memory_space<hbm>>) dst(%arg9 : memref<128x128xf32, #tpu.memory_space<vmem>>)
      "tpu.region"() ({
        %run_scoped3A = tpu.sem_alloc : memref<!tpu.dma_semaphore, #tpu.memory_space<semaphore_mem>>
        %dma_start3A_98 = arith.constant 0 : i32
        %dma_start3A_99 = tpu.memref_slice %arg7[%add3A_83, %dma_start3A_98] : memref<40x128xi32, #tpu.memory_space<vmem>> -> memref<1x128xi32, #tpu.memory_space<vmem>>
        %dma_start3A_100 = tpu.memref_squeeze %dma_start3A_99 : memref<1x128xi32, #tpu.memory_space<vmem>> -> memref<128xi32, #tpu.memory_space<vmem>>
        %dma_start3A_101 = arith.constant 0 : i32
        %dma_start3A_102 = arith.constant 0 : i32
        %dma_start3A_103 = tpu.memref_slice %arg10[%dma_start3A_101, %dma_start3A_102] : memref<10240x128xf32, #tpu.memory_space<vmem_shared>> -> memref<10240x128xf32, #tpu.memory_space<vmem_shared>>
        tpu.enqueue_indirect_dma source(%arg9 : memref<128x128xf32, #tpu.memory_space<vmem>>) target(%dma_start3A_103 : memref<10240x128xf32, #tpu.memory_space<vmem_shared>>) offsets(%dma_start3A_100 : memref<128xi32, #tpu.memory_space<vmem>>) semaphore(%run_scoped3A : memref<!tpu.dma_semaphore, #tpu.memory_space<semaphore_mem>>) {add = true}
        %dma_wait3A_104 = arith.constant 0 : i32
        %dma_wait3A_105 = tpu.memref_slice %arg7[%add3A_83, %dma_wait3A_104] : memref<40x128xi32, #tpu.memory_space<vmem>> -> memref<1x128xi32, #tpu.memory_space<vmem>>
        %dma_wait3A_106 = tpu.memref_squeeze %dma_wait3A_105 : memref<1x128xi32, #tpu.memory_space<vmem>> -> memref<128xi32, #tpu.memory_space<vmem>>
        %dma_wait3A_107 = arith.constant 0 : i32
        %dma_wait3A_108 = arith.constant 0 : i32
        %dma_wait3A_109 = tpu.memref_slice %arg10[%dma_wait3A_107, %dma_wait3A_108] : memref<10240x128xf32, #tpu.memory_space<vmem_shared>> -> memref<10240x128xf32, #tpu.memory_space<vmem_shared>>
        tpu.wait_indirect_dma semaphore(%run_scoped3A : memref<!tpu.dma_semaphore, #tpu.memory_space<semaphore_mem>>) src(%arg9 : memref<128x128xf32, #tpu.memory_space<vmem>>) dst(%dma_wait3A_109 : memref<10240x128xf32, #tpu.memory_space<vmem_shared>>)
        tpu.yield
      }) : () -> ()
      %scan3A_97 = arith.constant 0 : i32
      scf.yield %scan3A_97 : i32
    }
    %scan3A_56 = arith.constant 20 : i32
    %barrier3A_57 = arith.constant 0 : index
    tpu.barrier barrier_id(%barrier3A_57)
    %mul3A_58 = arith.constant 640 : i32
    %mul3A_59 = arith.muli %arg1, %mul3A_58 : i32
    %mul3A_60 = arith.constant 10240 : i32
    %mul3A_61 = arith.muli %arg0, %mul3A_60 : i32
    %mul3A_62 = arith.constant 640 : i32
    %mul3A_63 = arith.muli %arg1, %mul3A_62 : i32
    %add3A_64 = arith.addi %mul3A_61, %mul3A_63 : i32
    "tpu.region"() ({
      %run_scoped3A = tpu.sem_alloc : memref<!tpu.dma_semaphore, #tpu.memory_space<semaphore_mem>>
      %dma_start3A_65 = arith.constant 0 : i32
      %dma_start3A_66 = tpu.memref_slice %arg5[%add3A_64, %dma_start3A_65] : memref<20480x128xf32, #tpu.memory_space<hbm>> -> memref<640x128xf32, #tpu.memory_space<hbm>>
      %dma_start3A_67 = arith.constant 0 : i32
      %dma_start3A_68 = tpu.memref_slice %arg10[%mul3A_59, %dma_start3A_67] : memref<10240x128xf32, #tpu.memory_space<vmem_shared>> -> memref<640x128xf32, #tpu.memory_space<vmem_shared>>
      tpu.enqueue_dma source(%dma_start3A_68 : memref<640x128xf32, #tpu.memory_space<vmem_shared>>) target(%dma_start3A_66 : memref<640x128xf32, #tpu.memory_space<hbm>>) target_semaphore(%run_scoped3A : memref<!tpu.dma_semaphore, #tpu.memory_space<semaphore_mem>>)
      %dma_wait3A = arith.constant 0 : i32
      %dma_wait3A_69 = tpu.memref_slice %arg5[%add3A_64, %dma_wait3A] : memref<20480x128xf32, #tpu.memory_space<hbm>> -> memref<640x128xf32, #tpu.memory_space<hbm>>
      %dma_wait3A_70 = arith.constant 0 : i32
      %dma_wait3A_71 = tpu.memref_slice %arg10[%mul3A_59, %dma_wait3A_70] : memref<10240x128xf32, #tpu.memory_space<vmem_shared>> -> memref<640x128xf32, #tpu.memory_space<vmem_shared>>
      tpu.wait_dma2 semaphore(%run_scoped3A : memref<!tpu.dma_semaphore, #tpu.memory_space<semaphore_mem>>) src(%dma_wait3A_71 : memref<640x128xf32, #tpu.memory_space<vmem_shared>>) dst(%dma_wait3A_69 : memref<640x128xf32, #tpu.memory_space<hbm>>)
      tpu.yield
    }) : () -> ()
    return
  }
}

#map = affine_map<(d0, d1) -> (0, 0)>
module attributes {stable_mosaic.version = 14 : i64} {
  func.func @k(%arg0: i32, %arg1: i32, %arg2: memref<10240x48xf32, #tpu.memory_space<hbm>>, %arg3: memref<2560x128xi32, #tpu.memory_space<hbm>>, %arg4: memref<2560x128xi32, #tpu.memory_space<hbm>>, %arg5: memref<20480x48xf32, #tpu.memory_space<hbm>>, %arg6: memref<40x128xi32, #tpu.memory_space<vmem>>, %arg7: memref<40x128xi32, #tpu.memory_space<vmem>>, %arg8: memref<128x48xf32, #tpu.memory_space<vmem>>, %arg9: memref<128x48xf32, #tpu.memory_space<vmem>>, %arg10: memref<10240x48xf32, #tpu.memory_space<vmem_shared>>, %arg11: memref<!tpu.dma_semaphore, #tpu.memory_space<semaphore_mem>>, %arg12: memref<!tpu.dma_semaphore, #tpu.memory_space<semaphore_mem>>, %arg13: memref<!tpu.dma_semaphore, #tpu.memory_space<semaphore_mem>>, %arg14: memref<!tpu.dma_semaphore, #tpu.memory_space<semaphore_mem>>) attributes {dimension_semantics = [#tpu.dimension_semantics<core_parallel>, #tpu.dimension_semantics<subcore_parallel>], iteration_bounds = array<i64: 2, 16>, scalar_prefetch = 0 : i64, scratch_operands = 9 : i64, tpu.core_type = #tpu.core_type<sc_vector_subcore>, window_params = [{transform_indices = #map}, {transform_indices = #map}, {transform_indices = #map}, {transform_indices = #map}]} {
    %mul3A = arith.constant 16 : i32
    %mul3A_0 = arith.muli %arg0, %mul3A : i32
    %add3A = arith.addi %mul3A_0, %arg1 : i32
    %scan3A = arith.constant 0 : i32
    %scan3A_1 = arith.constant 0 : i32
    %scan3A_2 = arith.constant 384 : i32
    %scan3A_3 = arith.addi %scan3A_1, %scan3A_2 : i32
    %scan3A_4 = arith.constant 1 : i32
    %scan3A_5 = scf.for %scan3A_65 = %scan3A_1 to %scan3A_3 step %scan3A_4 iter_args(%scan3A_66 = %scan3A) -> (i32)  : i32 {
      %jit3A = arith.constant 3 : i32
      %div3A = arith.divsi %scan3A_65, %jit3A : i32
      %sign3A = arith.constant 0 : i32
      %sign3A_67 = arith.cmpi sgt, %scan3A_65, %sign3A : i32
      %sign3A_68 = arith.extui %sign3A_67 : i1 to i32
      %sign3A_69 = arith.constant 0 : i32
      %sign3A_70 = arith.cmpi slt, %scan3A_65, %sign3A_69 : i32
      %sign3A_71 = arith.extui %sign3A_70 : i1 to i32
      %sign3A_72 = arith.subi %sign3A_68, %sign3A_71 : i32
      %sign3A_73 = arith.constant 0 : i32
      %sign3A_74 = arith.cmpi sgt, %jit3A, %sign3A_73 : i32
      %sign3A_75 = arith.extui %sign3A_74 : i1 to i32
      %sign3A_76 = arith.constant 0 : i32
      %sign3A_77 = arith.cmpi slt, %jit3A, %sign3A_76 : i32
      %sign3A_78 = arith.extui %sign3A_77 : i1 to i32
      %sign3A_79 = arith.subi %sign3A_75, %sign3A_78 : i32
      %ne3A = arith.cmpi ne, %sign3A_72, %sign3A_79 : i32
      %rem3A = arith.remsi %scan3A_65, %jit3A : i32
      %ne3A_80 = arith.constant 0 : i32
      %ne3A_81 = arith.cmpi ne, %rem3A, %ne3A_80 : i32
      %and3A = arith.andi %ne3A, %ne3A_81 : i1
      %sub3A = arith.constant 1 : i32
      %sub3A_82 = arith.subi %div3A, %sub3A : i32
      %select_n3A = arith.select %and3A, %sub3A_82, %div3A : i32
      %rem3A_83 = arith.constant 3 : i32
      %rem3A_84 = arith.remsi %scan3A_65, %rem3A_83 : i32
      %broadcast_in_dim3A = arith.constant 0.000000e+00 : f32
      %broadcast_in_dim3A_85 = vector.broadcast %broadcast_in_dim3A : f32 to vector<16xf32>
      %mul3A_86 = arith.constant 16 : i32
      %mul3A_87 = arith.muli %rem3A_84, %mul3A_86 : i32
      %swap3A = arith.index_cast %select_n3A : i32 to index
      %swap3A_88 = arith.index_cast %mul3A_87 : i32 to index
      %swap3A_89 = tpu.vector_load %arg8[%swap3A, %swap3A_88] {strides = array<i32>} : memref<128x48xf32, #tpu.memory_space<vmem>>, vector<1x16xf32>,
      %swap3A_90 = vector.shape_cast %swap3A_89 : vector<1x16xf32> to vector<16xf32>
      %swap3A_91 = vector.shape_cast %broadcast_in_dim3A_85 : vector<16xf32> to vector<1x16xf32>
      tpu.vector_store %arg8[%swap3A, %swap3A_88], %swap3A_91 {strides = array<i32>} : memref<128x48xf32, #tpu.memory_space<vmem>>, vector<1x16xf32>,
      %scan3A_92 = arith.constant 0 : i32
      scf.yield %scan3A_92 : i32
    }
    %scan3A_6 = arith.constant 384 : i32
    %scan3A_7 = arith.constant 0 : i32
    %scan3A_8 = arith.constant 0 : i32
    %scan3A_9 = arith.constant 5 : i32
    %scan3A_10 = arith.addi %scan3A_8, %scan3A_9 : i32
    %scan3A_11 = arith.constant 1 : i32
    %scan3A_12 = scf.for %scan3A_65 = %scan3A_8 to %scan3A_10 step %scan3A_11 iter_args(%scan3A_66 = %scan3A_7) -> (i32)  : i32 {
      %mul3A_67 = arith.constant 640 : i32
      %mul3A_68 = arith.muli %arg1, %mul3A_67 : i32
      %mul3A_69 = arith.constant 128 : i32
      %mul3A_70 = arith.muli %scan3A_65, %mul3A_69 : i32
      %add3A_71 = arith.addi %mul3A_68, %mul3A_70 : i32
      "tpu.region"() ({
        %run_scoped3A = tpu.sem_alloc : memref<!tpu.dma_semaphore, #tpu.memory_space<semaphore_mem>>
        %dma_start3A_73 = arith.constant 0 : i32
        %dma_start3A_74 = tpu.memref_slice %arg10[%add3A_71, %dma_start3A_73] : memref<10240x48xf32, #tpu.memory_space<vmem_shared>> -> memref<128x48xf32, #tpu.memory_space<vmem_shared>>
        %dma_start3A_75 = arith.constant 0 : i32
        %dma_start3A_76 = tpu.memref_slice %arg10[%add3A_71, %dma_start3A_75] : memref<10240x48xf32, #tpu.memory_space<vmem_shared>> -> memref<128x48xf32, #tpu.memory_space<vmem_shared>>
        tpu.enqueue_dma source(%arg8 : memref<128x48xf32, #tpu.memory_space<vmem>>) target(%dma_start3A_76 : memref<128x48xf32, #tpu.memory_space<vmem_shared>>) target_semaphore(%run_scoped3A : memref<!tpu.dma_semaphore, #tpu.memory_space<semaphore_mem>>)
        %dma_wait3A = arith.constant 0 : i32
        %dma_wait3A_77 = tpu.memref_slice %arg10[%add3A_71, %dma_wait3A] : memref<10240x48xf32, #tpu.memory_space<vmem_shared>> -> memref<128x48xf32, #tpu.memory_space<vmem_shared>>
        %dma_wait3A_78 = arith.constant 0 : i32
        %dma_wait3A_79 = tpu.memref_slice %arg10[%add3A_71, %dma_wait3A_78] : memref<10240x48xf32, #tpu.memory_space<vmem_shared>> -> memref<128x48xf32, #tpu.memory_space<vmem_shared>>
        tpu.wait_dma2 semaphore(%run_scoped3A : memref<!tpu.dma_semaphore, #tpu.memory_space<semaphore_mem>>) src(%arg8 : memref<128x48xf32, #tpu.memory_space<vmem>>) dst(%dma_wait3A_79 : memref<128x48xf32, #tpu.memory_space<vmem_shared>>)
        tpu.yield
      }) : () -> ()
      %scan3A_72 = arith.constant 0 : i32
      scf.yield %scan3A_72 : i32
    }
    %scan3A_13 = arith.constant 5 : i32
    %barrier3A = arith.constant 0 : index
    tpu.barrier barrier_id(%barrier3A)
    %mul3A_14 = arith.constant 80 : i32
    %mul3A_15 = arith.muli %add3A, %mul3A_14 : i32
    %add3A_16 = arith.constant 0 : i32
    %add3A_17 = arith.addi %mul3A_15, %add3A_16 : i32
    "tpu.region"() ({
      %run_scoped3A = tpu.sem_alloc : memref<!tpu.dma_semaphore, #tpu.memory_space<semaphore_mem>>
      %dma_start3A_65 = arith.constant 0 : i32
      %dma_start3A_66 = tpu.memref_slice %arg3[%add3A_17, %dma_start3A_65] : memref<2560x128xi32, #tpu.memory_space<hbm>> -> memref<40x128xi32, #tpu.memory_space<hbm>>
      %dma_start3A_67 = arith.constant 0 : i32
      %dma_start3A_68 = tpu.memref_slice %arg3[%add3A_17, %dma_start3A_67] : memref<2560x128xi32, #tpu.memory_space<hbm>> -> memref<40x128xi32, #tpu.memory_space<hbm>>
      tpu.enqueue_dma source(%dma_start3A_68 : memref<40x128xi32, #tpu.memory_space<hbm>>) target(%arg6 : memref<40x128xi32, #tpu.memory_space<vmem>>) target_semaphore(%run_scoped3A : memref<!tpu.dma_semaphore, #tpu.memory_space<semaphore_mem>>)
      %dma_wait3A = arith.constant 0 : i32
      %dma_wait3A_69 = tpu.memref_slice %arg3[%add3A_17, %dma_wait3A] : memref<2560x128xi32, #tpu.memory_space<hbm>> -> memref<40x128xi32, #tpu.memory_space<hbm>>
      %dma_wait3A_70 = arith.constant 0 : i32
      %dma_wait3A_71 = tpu.memref_slice %arg3[%add3A_17, %dma_wait3A_70] : memref<2560x128xi32, #tpu.memory_space<hbm>> -> memref<40x128xi32, #tpu.memory_space<hbm>>
      tpu.wait_dma2 semaphore(%run_scoped3A : memref<!tpu.dma_semaphore, #tpu.memory_space<semaphore_mem>>) src(%dma_wait3A_71 : memref<40x128xi32, #tpu.memory_space<hbm>>) dst(%arg6 : memref<40x128xi32, #tpu.memory_space<vmem>>)
      tpu.yield
    }) : () -> ()
    %mul3A_18 = arith.constant 80 : i32
    %mul3A_19 = arith.muli %add3A, %mul3A_18 : i32
    %add3A_20 = arith.constant 0 : i32
    %add3A_21 = arith.addi %mul3A_19, %add3A_20 : i32
    "tpu.region"() ({
      %run_scoped3A = tpu.sem_alloc : memref<!tpu.dma_semaphore, #tpu.memory_space<semaphore_mem>>
      %dma_start3A_65 = arith.constant 0 : i32
      %dma_start3A_66 = tpu.memref_slice %arg4[%add3A_21, %dma_start3A_65] : memref<2560x128xi32, #tpu.memory_space<hbm>> -> memref<40x128xi32, #tpu.memory_space<hbm>>
      %dma_start3A_67 = arith.constant 0 : i32
      %dma_start3A_68 = tpu.memref_slice %arg4[%add3A_21, %dma_start3A_67] : memref<2560x128xi32, #tpu.memory_space<hbm>> -> memref<40x128xi32, #tpu.memory_space<hbm>>
      tpu.enqueue_dma source(%dma_start3A_68 : memref<40x128xi32, #tpu.memory_space<hbm>>) target(%arg7 : memref<40x128xi32, #tpu.memory_space<vmem>>) target_semaphore(%run_scoped3A : memref<!tpu.dma_semaphore, #tpu.memory_space<semaphore_mem>>)
      %dma_wait3A = arith.constant 0 : i32
      %dma_wait3A_69 = tpu.memref_slice %arg4[%add3A_21, %dma_wait3A] : memref<2560x128xi32, #tpu.memory_space<hbm>> -> memref<40x128xi32, #tpu.memory_space<hbm>>
      %dma_wait3A_70 = arith.constant 0 : i32
      %dma_wait3A_71 = tpu.memref_slice %arg4[%add3A_21, %dma_wait3A_70] : memref<2560x128xi32, #tpu.memory_space<hbm>> -> memref<40x128xi32, #tpu.memory_space<hbm>>
      tpu.wait_dma2 semaphore(%run_scoped3A : memref<!tpu.dma_semaphore, #tpu.memory_space<semaphore_mem>>) src(%dma_wait3A_71 : memref<40x128xi32, #tpu.memory_space<hbm>>) dst(%arg7 : memref<40x128xi32, #tpu.memory_space<vmem>>)
      tpu.yield
    }) : () -> ()
    %dma_start3A = arith.constant 0 : i32
    %dma_start3A_22 = arith.constant 0 : i32
    %dma_start3A_23 = tpu.memref_slice %arg6[%dma_start3A, %dma_start3A_22] : memref<40x128xi32, #tpu.memory_space<vmem>> -> memref<1x128xi32, #tpu.memory_space<vmem>>
    %dma_start3A_24 = tpu.memref_squeeze %dma_start3A_23 : memref<1x128xi32, #tpu.memory_space<vmem>> -> memref<128xi32, #tpu.memory_space<vmem>>
    %dma_start3A_25 = arith.constant 0 : i32
    %dma_start3A_26 = arith.constant 0 : i32
    %dma_start3A_27 = tpu.memref_slice %arg2[%dma_start3A_25, %dma_start3A_26] : memref<10240x48xf32, #tpu.memory_space<hbm>> -> memref<10240x48xf32, #tpu.memory_space<hbm>>
    tpu.enqueue_indirect_dma source(%dma_start3A_27 : memref<10240x48xf32, #tpu.memory_space<hbm>>) target(%arg8 : memref<128x48xf32, #tpu.memory_space<vmem>>) offsets(%dma_start3A_24 : memref<128xi32, #tpu.memory_space<vmem>>) semaphore(%arg11 : memref<!tpu.dma_semaphore, #tpu.memory_space<semaphore_mem>>)
    %scan3A_28 = arith.constant 0 : i32
    %scan3A_29 = arith.constant 0 : i32
    %scan3A_30 = arith.constant 20 : i32
    %scan3A_31 = arith.addi %scan3A_29, %scan3A_30 : i32
    %scan3A_32 = arith.constant 1 : i32
    %scan3A_33 = scf.for %scan3A_65 = %scan3A_29 to %scan3A_31 step %scan3A_32 iter_args(%scan3A_66 = %scan3A_28) -> (i32)  : i32 {
      %mul3A_67 = arith.constant 2 : i32
      %mul3A_68 = arith.muli %mul3A_67, %scan3A_65 : i32
      %add3A_69 = arith.constant 0 : i32
      %add3A_70 = arith.addi %mul3A_68, %add3A_69 : i32
      %add3A_71 = arith.constant 1 : i32
      %add3A_72 = arith.addi %add3A_70, %add3A_71 : i32
      %lt3A = arith.constant 40 : i32
      %lt3A_73 = arith.cmpi slt, %add3A_72, %lt3A : i32
      %convert_element_type3A = arith.extui %lt3A_73 : i1 to i32
      %cond3A = arith.constant 0 : i32
      %cond3A_74 = arith.cmpi ne, %convert_element_type3A, %cond3A : i32
      scf.if %cond3A_74 {
        %dma_start3A_98 = arith.constant 0 : i32
        %dma_start3A_99 = tpu.memref_slice %arg6[%add3A_72, %dma_start3A_98] : memref<40x128xi32, #tpu.memory_space<vmem>> -> memref<1x128xi32, #tpu.memory_space<vmem>>
        %dma_start3A_100 = tpu.memref_squeeze %dma_start3A_99 : memref<1x128xi32, #tpu.memory_space<vmem>> -> memref<128xi32, #tpu.memory_space<vmem>>
        %dma_start3A_101 = arith.constant 0 : i32
        %dma_start3A_102 = arith.constant 0 : i32
        %dma_start3A_103 = tpu.memref_slice %arg2[%dma_start3A_101, %dma_start3A_102] : memref<10240x48xf32, #tpu.memory_space<hbm>> -> memref<10240x48xf32, #tpu.memory_space<hbm>>
        tpu.enqueue_indirect_dma source(%dma_start3A_103 : memref<10240x48xf32, #tpu.memory_space<hbm>>) target(%arg9 : memref<128x48xf32, #tpu.memory_space<vmem>>) offsets(%dma_start3A_100 : memref<128xi32, #tpu.memory_space<vmem>>) semaphore(%arg12 : memref<!tpu.dma_semaphore, #tpu.memory_space<semaphore_mem>>)
      } else {
      }
      %dma_wait3A = arith.constant 0 : i32
      %dma_wait3A_75 = tpu.memref_slice %arg6[%add3A_70, %dma_wait3A] : memref<40x128xi32, #tpu.memory_space<vmem>> -> memref<1x128xi32, #tpu.memory_space<vmem>>
      %dma_wait3A_76 = tpu.memref_squeeze %dma_wait3A_75 : memref<1x128xi32, #tpu.memory_space<vmem>> -> memref<128xi32, #tpu.memory_space<vmem>>
      %dma_wait3A_77 = arith.constant 0 : i32
      %dma_wait3A_78 = arith.constant 0 : i32
      %dma_wait3A_79 = tpu.memref_slice %arg2[%dma_wait3A_77, %dma_wait3A_78] : memref<10240x48xf32, #tpu.memory_space<hbm>> -> memref<10240x48xf32, #tpu.memory_space<hbm>>
      tpu.wait_indirect_dma semaphore(%arg11 : memref<!tpu.dma_semaphore, #tpu.memory_space<semaphore_mem>>) src(%dma_wait3A_79 : memref<10240x48xf32, #tpu.memory_space<hbm>>) dst(%arg8 : memref<128x48xf32, #tpu.memory_space<vmem>>)
      "tpu.region"() ({
        %run_scoped3A = tpu.sem_alloc : memref<!tpu.dma_semaphore, #tpu.memory_space<semaphore_mem>>
        %dma_start3A_98 = arith.constant 0 : i32
        %dma_start3A_99 = tpu.memref_slice %arg7[%add3A_70, %dma_start3A_98] : memref<40x128xi32, #tpu.memory_space<vmem>> -> memref<1x128xi32, #tpu.memory_space<vmem>>
        %dma_start3A_100 = tpu.memref_squeeze %dma_start3A_99 : memref<1x128xi32, #tpu.memory_space<vmem>> -> memref<128xi32, #tpu.memory_space<vmem>>
        %dma_start3A_101 = arith.constant 0 : i32
        %dma_start3A_102 = arith.constant 0 : i32
        %dma_start3A_103 = tpu.memref_slice %arg10[%dma_start3A_101, %dma_start3A_102] : memref<10240x48xf32, #tpu.memory_space<vmem_shared>> -> memref<10240x48xf32, #tpu.memory_space<vmem_shared>>
        tpu.enqueue_indirect_dma source(%arg8 : memref<128x48xf32, #tpu.memory_space<vmem>>) target(%dma_start3A_103 : memref<10240x48xf32, #tpu.memory_space<vmem_shared>>) offsets(%dma_start3A_100 : memref<128xi32, #tpu.memory_space<vmem>>) semaphore(%run_scoped3A : memref<!tpu.dma_semaphore, #tpu.memory_space<semaphore_mem>>) {add = true}
        %dma_wait3A_104 = arith.constant 0 : i32
        %dma_wait3A_105 = tpu.memref_slice %arg7[%add3A_70, %dma_wait3A_104] : memref<40x128xi32, #tpu.memory_space<vmem>> -> memref<1x128xi32, #tpu.memory_space<vmem>>
        %dma_wait3A_106 = tpu.memref_squeeze %dma_wait3A_105 : memref<1x128xi32, #tpu.memory_space<vmem>> -> memref<128xi32, #tpu.memory_space<vmem>>
        %dma_wait3A_107 = arith.constant 0 : i32
        %dma_wait3A_108 = arith.constant 0 : i32
        %dma_wait3A_109 = tpu.memref_slice %arg10[%dma_wait3A_107, %dma_wait3A_108] : memref<10240x48xf32, #tpu.memory_space<vmem_shared>> -> memref<10240x48xf32, #tpu.memory_space<vmem_shared>>
        tpu.wait_indirect_dma semaphore(%run_scoped3A : memref<!tpu.dma_semaphore, #tpu.memory_space<semaphore_mem>>) src(%arg8 : memref<128x48xf32, #tpu.memory_space<vmem>>) dst(%dma_wait3A_109 : memref<10240x48xf32, #tpu.memory_space<vmem_shared>>)
        tpu.yield
      }) : () -> ()
      %mul3A_80 = arith.constant 2 : i32
      %mul3A_81 = arith.muli %mul3A_80, %scan3A_65 : i32
      %add3A_82 = arith.constant 1 : i32
      %add3A_83 = arith.addi %mul3A_81, %add3A_82 : i32
      %add3A_84 = arith.constant 1 : i32
      %add3A_85 = arith.addi %add3A_83, %add3A_84 : i32
      %lt3A_86 = arith.constant 40 : i32
      %lt3A_87 = arith.cmpi slt, %add3A_85, %lt3A_86 : i32
      %convert_element_type3A_88 = arith.extui %lt3A_87 : i1 to i32
      %cond3A_89 = arith.constant 0 : i32
      %cond3A_90 = arith.cmpi ne, %convert_element_type3A_88, %cond3A_89 : i32
      scf.if %cond3A_90 {
        %dma_start3A_98 = arith.constant 0 : i32
        %dma_start3A_99 = tpu.memref_slice %arg6[%add3A_85, %dma_start3A_98] : memref<40x128xi32, #tpu.memory_space<vmem>> -> memref<1x128xi32, #tpu.memory_space<vmem>>
        %dma_start3A_100 = tpu.memref_squeeze %dma_start3A_99 : memref<1x128xi32, #tpu.memory_space<vmem>> -> memref<128xi32, #tpu.memory_space<vmem>>
        %dma_start3A_101 = arith.constant 0 : i32
        %dma_start3A_102 = arith.constant 0 : i32
        %dma_start3A_103 = tpu.memref_slice %arg2[%dma_start3A_101, %dma_start3A_102] : memref<10240x48xf32, #tpu.memory_space<hbm>> -> memref<10240x48xf32, #tpu.memory_space<hbm>>
        tpu.enqueue_indirect_dma source(%dma_start3A_103 : memref<10240x48xf32, #tpu.memory_space<hbm>>) target(%arg8 : memref<128x48xf32, #tpu.memory_space<vmem>>) offsets(%dma_start3A_100 : memref<128xi32, #tpu.memory_space<vmem>>) semaphore(%arg11 : memref<!tpu.dma_semaphore, #tpu.memory_space<semaphore_mem>>)
      } else {
      }
      %dma_wait3A_91 = arith.constant 0 : i32
      %dma_wait3A_92 = tpu.memref_slice %arg6[%add3A_83, %dma_wait3A_91] : memref<40x128xi32, #tpu.memory_space<vmem>> -> memref<1x128xi32, #tpu.memory_space<vmem>>
      %dma_wait3A_93 = tpu.memref_squeeze %dma_wait3A_92 : memref<1x128xi32, #tpu.memory_space<vmem>> -> memref<128xi32, #tpu.memory_space<vmem>>
      %dma_wait3A_94 = arith.constant 0 : i32
      %dma_wait3A_95 = arith.constant 0 : i32
      %dma_wait3A_96 = tpu.memref_slice %arg2[%dma_wait3A_94, %dma_wait3A_95] : memref<10240x48xf32, #tpu.memory_space<hbm>> -> memref<10240x48xf32, #tpu.memory_space<hbm>>
      tpu.wait_indirect_dma semaphore(%arg12 : memref<!tpu.dma_semaphore, #tpu.memory_space<semaphore_mem>>) src(%dma_wait3A_96 : memref<10240x48xf32, #tpu.memory_space<hbm>>) dst(%arg9 : memref<128x48xf32, #tpu.memory_space<vmem>>)
      "tpu.region"() ({
        %run_scoped3A = tpu.sem_alloc : memref<!tpu.dma_semaphore, #tpu.memory_space<semaphore_mem>>
        %dma_start3A_98 = arith.constant 0 : i32
        %dma_start3A_99 = tpu.memref_slice %arg7[%add3A_83, %dma_start3A_98] : memref<40x128xi32, #tpu.memory_space<vmem>> -> memref<1x128xi32, #tpu.memory_space<vmem>>
        %dma_start3A_100 = tpu.memref_squeeze %dma_start3A_99 : memref<1x128xi32, #tpu.memory_space<vmem>> -> memref<128xi32, #tpu.memory_space<vmem>>
        %dma_start3A_101 = arith.constant 0 : i32
        %dma_start3A_102 = arith.constant 0 : i32
        %dma_start3A_103 = tpu.memref_slice %arg10[%dma_start3A_101, %dma_start3A_102] : memref<10240x48xf32, #tpu.memory_space<vmem_shared>> -> memref<10240x48xf32, #tpu.memory_space<vmem_shared>>
        tpu.enqueue_indirect_dma source(%arg9 : memref<128x48xf32, #tpu.memory_space<vmem>>) target(%dma_start3A_103 : memref<10240x48xf32, #tpu.memory_space<vmem_shared>>) offsets(%dma_start3A_100 : memref<128xi32, #tpu.memory_space<vmem>>) semaphore(%run_scoped3A : memref<!tpu.dma_semaphore, #tpu.memory_space<semaphore_mem>>) {add = true}
        %dma_wait3A_104 = arith.constant 0 : i32
        %dma_wait3A_105 = tpu.memref_slice %arg7[%add3A_83, %dma_wait3A_104] : memref<40x128xi32, #tpu.memory_space<vmem>> -> memref<1x128xi32, #tpu.memory_space<vmem>>
        %dma_wait3A_106 = tpu.memref_squeeze %dma_wait3A_105 : memref<1x128xi32, #tpu.memory_space<vmem>> -> memref<128xi32, #tpu.memory_space<vmem>>
        %dma_wait3A_107 = arith.constant 0 : i32
        %dma_wait3A_108 = arith.constant 0 : i32
        %dma_wait3A_109 = tpu.memref_slice %arg10[%dma_wait3A_107, %dma_wait3A_108] : memref<10240x48xf32, #tpu.memory_space<vmem_shared>> -> memref<10240x48xf32, #tpu.memory_space<vmem_shared>>
        tpu.wait_indirect_dma semaphore(%run_scoped3A : memref<!tpu.dma_semaphore, #tpu.memory_space<semaphore_mem>>) src(%arg9 : memref<128x48xf32, #tpu.memory_space<vmem>>) dst(%dma_wait3A_109 : memref<10240x48xf32, #tpu.memory_space<vmem_shared>>)
        tpu.yield
      }) : () -> ()
      %scan3A_97 = arith.constant 0 : i32
      scf.yield %scan3A_97 : i32
    }
    %scan3A_34 = arith.constant 20 : i32
    %mul3A_35 = arith.constant 80 : i32
    %mul3A_36 = arith.muli %add3A, %mul3A_35 : i32
    %add3A_37 = arith.constant 40 : i32
    %add3A_38 = arith.addi %mul3A_36, %add3A_37 : i32
    "tpu.region"() ({
      %run_scoped3A = tpu.sem_alloc : memref<!tpu.dma_semaphore, #tpu.memory_space<semaphore_mem>>
      %dma_start3A_65 = arith.constant 0 : i32
      %dma_start3A_66 = tpu.memref_slice %arg3[%add3A_38, %dma_start3A_65] : memref<2560x128xi32, #tpu.memory_space<hbm>> -> memref<40x128xi32, #tpu.memory_space<hbm>>
      %dma_start3A_67 = arith.constant 0 : i32
      %dma_start3A_68 = tpu.memref_slice %arg3[%add3A_38, %dma_start3A_67] : memref<2560x128xi32, #tpu.memory_space<hbm>> -> memref<40x128xi32, #tpu.memory_space<hbm>>
      tpu.enqueue_dma source(%dma_start3A_68 : memref<40x128xi32, #tpu.memory_space<hbm>>) target(%arg6 : memref<40x128xi32, #tpu.memory_space<vmem>>) target_semaphore(%run_scoped3A : memref<!tpu.dma_semaphore, #tpu.memory_space<semaphore_mem>>)
      %dma_wait3A = arith.constant 0 : i32
      %dma_wait3A_69 = tpu.memref_slice %arg3[%add3A_38, %dma_wait3A] : memref<2560x128xi32, #tpu.memory_space<hbm>> -> memref<40x128xi32, #tpu.memory_space<hbm>>
      %dma_wait3A_70 = arith.constant 0 : i32
      %dma_wait3A_71 = tpu.memref_slice %arg3[%add3A_38, %dma_wait3A_70] : memref<2560x128xi32, #tpu.memory_space<hbm>> -> memref<40x128xi32, #tpu.memory_space<hbm>>
      tpu.wait_dma2 semaphore(%run_scoped3A : memref<!tpu.dma_semaphore, #tpu.memory_space<semaphore_mem>>) src(%dma_wait3A_71 : memref<40x128xi32, #tpu.memory_space<hbm>>) dst(%arg6 : memref<40x128xi32, #tpu.memory_space<vmem>>)
      tpu.yield
    }) : () -> ()
    %mul3A_39 = arith.constant 80 : i32
    %mul3A_40 = arith.muli %add3A, %mul3A_39 : i32
    %add3A_41 = arith.constant 40 : i32
    %add3A_42 = arith.addi %mul3A_40, %add3A_41 : i32
    "tpu.region"() ({
      %run_scoped3A = tpu.sem_alloc : memref<!tpu.dma_semaphore, #tpu.memory_space<semaphore_mem>>
      %dma_start3A_65 = arith.constant 0 : i32
      %dma_start3A_66 = tpu.memref_slice %arg4[%add3A_42, %dma_start3A_65] : memref<2560x128xi32, #tpu.memory_space<hbm>> -> memref<40x128xi32, #tpu.memory_space<hbm>>
      %dma_start3A_67 = arith.constant 0 : i32
      %dma_start3A_68 = tpu.memref_slice %arg4[%add3A_42, %dma_start3A_67] : memref<2560x128xi32, #tpu.memory_space<hbm>> -> memref<40x128xi32, #tpu.memory_space<hbm>>
      tpu.enqueue_dma source(%dma_start3A_68 : memref<40x128xi32, #tpu.memory_space<hbm>>) target(%arg7 : memref<40x128xi32, #tpu.memory_space<vmem>>) target_semaphore(%run_scoped3A : memref<!tpu.dma_semaphore, #tpu.memory_space<semaphore_mem>>)
      %dma_wait3A = arith.constant 0 : i32
      %dma_wait3A_69 = tpu.memref_slice %arg4[%add3A_42, %dma_wait3A] : memref<2560x128xi32, #tpu.memory_space<hbm>> -> memref<40x128xi32, #tpu.memory_space<hbm>>
      %dma_wait3A_70 = arith.constant 0 : i32
      %dma_wait3A_71 = tpu.memref_slice %arg4[%add3A_42, %dma_wait3A_70] : memref<2560x128xi32, #tpu.memory_space<hbm>> -> memref<40x128xi32, #tpu.memory_space<hbm>>
      tpu.wait_dma2 semaphore(%run_scoped3A : memref<!tpu.dma_semaphore, #tpu.memory_space<semaphore_mem>>) src(%dma_wait3A_71 : memref<40x128xi32, #tpu.memory_space<hbm>>) dst(%arg7 : memref<40x128xi32, #tpu.memory_space<vmem>>)
      tpu.yield
    }) : () -> ()
    %dma_start3A_43 = arith.constant 0 : i32
    %dma_start3A_44 = arith.constant 0 : i32
    %dma_start3A_45 = tpu.memref_slice %arg6[%dma_start3A_43, %dma_start3A_44] : memref<40x128xi32, #tpu.memory_space<vmem>> -> memref<1x128xi32, #tpu.memory_space<vmem>>
    %dma_start3A_46 = tpu.memref_squeeze %dma_start3A_45 : memref<1x128xi32, #tpu.memory_space<vmem>> -> memref<128xi32, #tpu.memory_space<vmem>>
    %dma_start3A_47 = arith.constant 0 : i32
    %dma_start3A_48 = arith.constant 0 : i32
    %dma_start3A_49 = tpu.memref_slice %arg2[%dma_start3A_47, %dma_start3A_48] : memref<10240x48xf32, #tpu.memory_space<hbm>> -> memref<10240x48xf32, #tpu.memory_space<hbm>>
    tpu.enqueue_indirect_dma source(%dma_start3A_49 : memref<10240x48xf32, #tpu.memory_space<hbm>>) target(%arg8 : memref<128x48xf32, #tpu.memory_space<vmem>>) offsets(%dma_start3A_46 : memref<128xi32, #tpu.memory_space<vmem>>) semaphore(%arg11 : memref<!tpu.dma_semaphore, #tpu.memory_space<semaphore_mem>>)
    %scan3A_50 = arith.constant 0 : i32
    %scan3A_51 = arith.constant 0 : i32
    %scan3A_52 = arith.constant 20 : i32
    %scan3A_53 = arith.addi %scan3A_51, %scan3A_52 : i32
    %scan3A_54 = arith.constant 1 : i32
    %scan3A_55 = scf.for %scan3A_65 = %scan3A_51 to %scan3A_53 step %scan3A_54 iter_args(%scan3A_66 = %scan3A_50) -> (i32)  : i32 {
      %mul3A_67 = arith.constant 2 : i32
      %mul3A_68 = arith.muli %mul3A_67, %scan3A_65 : i32
      %add3A_69 = arith.constant 0 : i32
      %add3A_70 = arith.addi %mul3A_68, %add3A_69 : i32
      %add3A_71 = arith.constant 1 : i32
      %add3A_72 = arith.addi %add3A_70, %add3A_71 : i32
      %lt3A = arith.constant 40 : i32
      %lt3A_73 = arith.cmpi slt, %add3A_72, %lt3A : i32
      %convert_element_type3A = arith.extui %lt3A_73 : i1 to i32
      %cond3A = arith.constant 0 : i32
      %cond3A_74 = arith.cmpi ne, %convert_element_type3A, %cond3A : i32
      scf.if %cond3A_74 {
        %dma_start3A_98 = arith.constant 0 : i32
        %dma_start3A_99 = tpu.memref_slice %arg6[%add3A_72, %dma_start3A_98] : memref<40x128xi32, #tpu.memory_space<vmem>> -> memref<1x128xi32, #tpu.memory_space<vmem>>
        %dma_start3A_100 = tpu.memref_squeeze %dma_start3A_99 : memref<1x128xi32, #tpu.memory_space<vmem>> -> memref<128xi32, #tpu.memory_space<vmem>>
        %dma_start3A_101 = arith.constant 0 : i32
        %dma_start3A_102 = arith.constant 0 : i32
        %dma_start3A_103 = tpu.memref_slice %arg2[%dma_start3A_101, %dma_start3A_102] : memref<10240x48xf32, #tpu.memory_space<hbm>> -> memref<10240x48xf32, #tpu.memory_space<hbm>>
        tpu.enqueue_indirect_dma source(%dma_start3A_103 : memref<10240x48xf32, #tpu.memory_space<hbm>>) target(%arg9 : memref<128x48xf32, #tpu.memory_space<vmem>>) offsets(%dma_start3A_100 : memref<128xi32, #tpu.memory_space<vmem>>) semaphore(%arg12 : memref<!tpu.dma_semaphore, #tpu.memory_space<semaphore_mem>>)
      } else {
      }
      %dma_wait3A = arith.constant 0 : i32
      %dma_wait3A_75 = tpu.memref_slice %arg6[%add3A_70, %dma_wait3A] : memref<40x128xi32, #tpu.memory_space<vmem>> -> memref<1x128xi32, #tpu.memory_space<vmem>>
      %dma_wait3A_76 = tpu.memref_squeeze %dma_wait3A_75 : memref<1x128xi32, #tpu.memory_space<vmem>> -> memref<128xi32, #tpu.memory_space<vmem>>
      %dma_wait3A_77 = arith.constant 0 : i32
      %dma_wait3A_78 = arith.constant 0 : i32
      %dma_wait3A_79 = tpu.memref_slice %arg2[%dma_wait3A_77, %dma_wait3A_78] : memref<10240x48xf32, #tpu.memory_space<hbm>> -> memref<10240x48xf32, #tpu.memory_space<hbm>>
      tpu.wait_indirect_dma semaphore(%arg11 : memref<!tpu.dma_semaphore, #tpu.memory_space<semaphore_mem>>) src(%dma_wait3A_79 : memref<10240x48xf32, #tpu.memory_space<hbm>>) dst(%arg8 : memref<128x48xf32, #tpu.memory_space<vmem>>)
      "tpu.region"() ({
        %run_scoped3A = tpu.sem_alloc : memref<!tpu.dma_semaphore, #tpu.memory_space<semaphore_mem>>
        %dma_start3A_98 = arith.constant 0 : i32
        %dma_start3A_99 = tpu.memref_slice %arg7[%add3A_70, %dma_start3A_98] : memref<40x128xi32, #tpu.memory_space<vmem>> -> memref<1x128xi32, #tpu.memory_space<vmem>>
        %dma_start3A_100 = tpu.memref_squeeze %dma_start3A_99 : memref<1x128xi32, #tpu.memory_space<vmem>> -> memref<128xi32, #tpu.memory_space<vmem>>
        %dma_start3A_101 = arith.constant 0 : i32
        %dma_start3A_102 = arith.constant 0 : i32
        %dma_start3A_103 = tpu.memref_slice %arg10[%dma_start3A_101, %dma_start3A_102] : memref<10240x48xf32, #tpu.memory_space<vmem_shared>> -> memref<10240x48xf32, #tpu.memory_space<vmem_shared>>
        tpu.enqueue_indirect_dma source(%arg8 : memref<128x48xf32, #tpu.memory_space<vmem>>) target(%dma_start3A_103 : memref<10240x48xf32, #tpu.memory_space<vmem_shared>>) offsets(%dma_start3A_100 : memref<128xi32, #tpu.memory_space<vmem>>) semaphore(%run_scoped3A : memref<!tpu.dma_semaphore, #tpu.memory_space<semaphore_mem>>) {add = true}
        %dma_wait3A_104 = arith.constant 0 : i32
        %dma_wait3A_105 = tpu.memref_slice %arg7[%add3A_70, %dma_wait3A_104] : memref<40x128xi32, #tpu.memory_space<vmem>> -> memref<1x128xi32, #tpu.memory_space<vmem>>
        %dma_wait3A_106 = tpu.memref_squeeze %dma_wait3A_105 : memref<1x128xi32, #tpu.memory_space<vmem>> -> memref<128xi32, #tpu.memory_space<vmem>>
        %dma_wait3A_107 = arith.constant 0 : i32
        %dma_wait3A_108 = arith.constant 0 : i32
        %dma_wait3A_109 = tpu.memref_slice %arg10[%dma_wait3A_107, %dma_wait3A_108] : memref<10240x48xf32, #tpu.memory_space<vmem_shared>> -> memref<10240x48xf32, #tpu.memory_space<vmem_shared>>
        tpu.wait_indirect_dma semaphore(%run_scoped3A : memref<!tpu.dma_semaphore, #tpu.memory_space<semaphore_mem>>) src(%arg8 : memref<128x48xf32, #tpu.memory_space<vmem>>) dst(%dma_wait3A_109 : memref<10240x48xf32, #tpu.memory_space<vmem_shared>>)
        tpu.yield
      }) : () -> ()
      %mul3A_80 = arith.constant 2 : i32
      %mul3A_81 = arith.muli %mul3A_80, %scan3A_65 : i32
      %add3A_82 = arith.constant 1 : i32
      %add3A_83 = arith.addi %mul3A_81, %add3A_82 : i32
      %add3A_84 = arith.constant 1 : i32
      %add3A_85 = arith.addi %add3A_83, %add3A_84 : i32
      %lt3A_86 = arith.constant 40 : i32
      %lt3A_87 = arith.cmpi slt, %add3A_85, %lt3A_86 : i32
      %convert_element_type3A_88 = arith.extui %lt3A_87 : i1 to i32
      %cond3A_89 = arith.constant 0 : i32
      %cond3A_90 = arith.cmpi ne, %convert_element_type3A_88, %cond3A_89 : i32
      scf.if %cond3A_90 {
        %dma_start3A_98 = arith.constant 0 : i32
        %dma_start3A_99 = tpu.memref_slice %arg6[%add3A_85, %dma_start3A_98] : memref<40x128xi32, #tpu.memory_space<vmem>> -> memref<1x128xi32, #tpu.memory_space<vmem>>
        %dma_start3A_100 = tpu.memref_squeeze %dma_start3A_99 : memref<1x128xi32, #tpu.memory_space<vmem>> -> memref<128xi32, #tpu.memory_space<vmem>>
        %dma_start3A_101 = arith.constant 0 : i32
        %dma_start3A_102 = arith.constant 0 : i32
        %dma_start3A_103 = tpu.memref_slice %arg2[%dma_start3A_101, %dma_start3A_102] : memref<10240x48xf32, #tpu.memory_space<hbm>> -> memref<10240x48xf32, #tpu.memory_space<hbm>>
        tpu.enqueue_indirect_dma source(%dma_start3A_103 : memref<10240x48xf32, #tpu.memory_space<hbm>>) target(%arg8 : memref<128x48xf32, #tpu.memory_space<vmem>>) offsets(%dma_start3A_100 : memref<128xi32, #tpu.memory_space<vmem>>) semaphore(%arg11 : memref<!tpu.dma_semaphore, #tpu.memory_space<semaphore_mem>>)
      } else {
      }
      %dma_wait3A_91 = arith.constant 0 : i32
      %dma_wait3A_92 = tpu.memref_slice %arg6[%add3A_83, %dma_wait3A_91] : memref<40x128xi32, #tpu.memory_space<vmem>> -> memref<1x128xi32, #tpu.memory_space<vmem>>
      %dma_wait3A_93 = tpu.memref_squeeze %dma_wait3A_92 : memref<1x128xi32, #tpu.memory_space<vmem>> -> memref<128xi32, #tpu.memory_space<vmem>>
      %dma_wait3A_94 = arith.constant 0 : i32
      %dma_wait3A_95 = arith.constant 0 : i32
      %dma_wait3A_96 = tpu.memref_slice %arg2[%dma_wait3A_94, %dma_wait3A_95] : memref<10240x48xf32, #tpu.memory_space<hbm>> -> memref<10240x48xf32, #tpu.memory_space<hbm>>
      tpu.wait_indirect_dma semaphore(%arg12 : memref<!tpu.dma_semaphore, #tpu.memory_space<semaphore_mem>>) src(%dma_wait3A_96 : memref<10240x48xf32, #tpu.memory_space<hbm>>) dst(%arg9 : memref<128x48xf32, #tpu.memory_space<vmem>>)
      "tpu.region"() ({
        %run_scoped3A = tpu.sem_alloc : memref<!tpu.dma_semaphore, #tpu.memory_space<semaphore_mem>>
        %dma_start3A_98 = arith.constant 0 : i32
        %dma_start3A_99 = tpu.memref_slice %arg7[%add3A_83, %dma_start3A_98] : memref<40x128xi32, #tpu.memory_space<vmem>> -> memref<1x128xi32, #tpu.memory_space<vmem>>
        %dma_start3A_100 = tpu.memref_squeeze %dma_start3A_99 : memref<1x128xi32, #tpu.memory_space<vmem>> -> memref<128xi32, #tpu.memory_space<vmem>>
        %dma_start3A_101 = arith.constant 0 : i32
        %dma_start3A_102 = arith.constant 0 : i32
        %dma_start3A_103 = tpu.memref_slice %arg10[%dma_start3A_101, %dma_start3A_102] : memref<10240x48xf32, #tpu.memory_space<vmem_shared>> -> memref<10240x48xf32, #tpu.memory_space<vmem_shared>>
        tpu.enqueue_indirect_dma source(%arg9 : memref<128x48xf32, #tpu.memory_space<vmem>>) target(%dma_start3A_103 : memref<10240x48xf32, #tpu.memory_space<vmem_shared>>) offsets(%dma_start3A_100 : memref<128xi32, #tpu.memory_space<vmem>>) semaphore(%run_scoped3A : memref<!tpu.dma_semaphore, #tpu.memory_space<semaphore_mem>>) {add = true}
        %dma_wait3A_104 = arith.constant 0 : i32
        %dma_wait3A_105 = tpu.memref_slice %arg7[%add3A_83, %dma_wait3A_104] : memref<40x128xi32, #tpu.memory_space<vmem>> -> memref<1x128xi32, #tpu.memory_space<vmem>>
        %dma_wait3A_106 = tpu.memref_squeeze %dma_wait3A_105 : memref<1x128xi32, #tpu.memory_space<vmem>> -> memref<128xi32, #tpu.memory_space<vmem>>
        %dma_wait3A_107 = arith.constant 0 : i32
        %dma_wait3A_108 = arith.constant 0 : i32
        %dma_wait3A_109 = tpu.memref_slice %arg10[%dma_wait3A_107, %dma_wait3A_108] : memref<10240x48xf32, #tpu.memory_space<vmem_shared>> -> memref<10240x48xf32, #tpu.memory_space<vmem_shared>>
        tpu.wait_indirect_dma semaphore(%run_scoped3A : memref<!tpu.dma_semaphore, #tpu.memory_space<semaphore_mem>>) src(%arg9 : memref<128x48xf32, #tpu.memory_space<vmem>>) dst(%dma_wait3A_109 : memref<10240x48xf32, #tpu.memory_space<vmem_shared>>)
        tpu.yield
      }) : () -> ()
      %scan3A_97 = arith.constant 0 : i32
      scf.yield %scan3A_97 : i32
    }
    %scan3A_56 = arith.constant 20 : i32
    %barrier3A_57 = arith.constant 0 : index
    tpu.barrier barrier_id(%barrier3A_57)
    %mul3A_58 = arith.constant 640 : i32
    %mul3A_59 = arith.muli %arg1, %mul3A_58 : i32
    %mul3A_60 = arith.constant 10240 : i32
    %mul3A_61 = arith.muli %arg0, %mul3A_60 : i32
    %mul3A_62 = arith.constant 640 : i32
    %mul3A_63 = arith.muli %arg1, %mul3A_62 : i32
    %add3A_64 = arith.addi %mul3A_61, %mul3A_63 : i32
    "tpu.region"() ({
      %run_scoped3A = tpu.sem_alloc : memref<!tpu.dma_semaphore, #tpu.memory_space<semaphore_mem>>
      %dma_start3A_65 = arith.constant 0 : i32
      %dma_start3A_66 = tpu.memref_slice %arg5[%add3A_64, %dma_start3A_65] : memref<20480x48xf32, #tpu.memory_space<hbm>> -> memref<640x48xf32, #tpu.memory_space<hbm>>
      %dma_start3A_67 = arith.constant 0 : i32
      %dma_start3A_68 = tpu.memref_slice %arg10[%mul3A_59, %dma_start3A_67] : memref<10240x48xf32, #tpu.memory_space<vmem_shared>> -> memref<640x48xf32, #tpu.memory_space<vmem_shared>>
      tpu.enqueue_dma source(%dma_start3A_68 : memref<640x48xf32, #tpu.memory_space<vmem_shared>>) target(%dma_start3A_66 : memref<640x48xf32, #tpu.memory_space<hbm>>) target_semaphore(%run_scoped3A : memref<!tpu.dma_semaphore, #tpu.memory_space<semaphore_mem>>)
      %dma_wait3A = arith.constant 0 : i32
      %dma_wait3A_69 = tpu.memref_slice %arg5[%add3A_64, %dma_wait3A] : memref<20480x48xf32, #tpu.memory_space<hbm>> -> memref<640x48xf32, #tpu.memory_space<hbm>>
      %dma_wait3A_70 = arith.constant 0 : i32
      %dma_wait3A_71 = tpu.memref_slice %arg10[%mul3A_59, %dma_wait3A_70] : memref<10240x48xf32, #tpu.memory_space<vmem_shared>> -> memref<640x48xf32, #tpu.memory_space<vmem_shared>>
      tpu.wait_dma2 semaphore(%run_scoped3A : memref<!tpu.dma_semaphore, #tpu.memory_space<semaphore_mem>>) src(%dma_wait3A_71 : memref<640x48xf32, #tpu.memory_space<vmem_shared>>) dst(%dma_wait3A_69 : memref<640x48xf32, #tpu.memory_space<hbm>>)
      tpu.yield
    }) : () -> ()
    return
  }
}

module attributes {stable_mosaic.version = 14 : i64} {
  func.func @_g1_body(%arg0: i32, %arg1: memref<1024x128xf32, #tpu.memory_space<vmem>>, %arg2: memref<128x128xf32, #tpu.memory_space<vmem>>, %arg3: memref<2x1024x16xf32, #tpu.memory_space<vmem>>, %arg4: memref<1024x128xf32, #tpu.memory_space<vmem>>) attributes {dimension_semantics = [#tpu.dimension_semantics<arbitrary>], iteration_bounds = array<i64: 10>, scalar_prefetch = 0 : i64, scratch_operands = 0 : i64, tpu.core_type = #tpu.core_type<tc>, window_params = [{transform_indices = @transform_0, window_bounds = array<i64: 1024, 128>}, {pipeline_mode = #tpu.pipeline_mode<synchronous>, transform_indices = @transform_1, window_bounds = array<i64: 128, 128>}, {transform_indices = @transform_2, window_bounds = array<i64: 2, 1024, 16>}, {transform_indices = @transform_3, window_bounds = array<i64: 1024, 128>}]} {
    %get3A = arith.constant 0 : index
    %get3A_0 = arith.constant 0 : index
    %get3A_1 = arith.constant 0 : index
    %get3A_2 = vector.load %arg3[%get3A, %get3A_0, %get3A_1] : memref<2x1024x16xf32, #tpu.memory_space<vmem>>, vector<1x1024x1xf32>
    %get3A_3 = vector.shape_cast %get3A_2 : vector<1x1024x1xf32> to vector<1024x1xf32>
    %get3A_4 = arith.constant 1 : index
    %get3A_5 = arith.constant 0 : index
    %get3A_6 = arith.constant 0 : index
    %get3A_7 = vector.load %arg3[%get3A_4, %get3A_5, %get3A_6] : memref<2x1024x16xf32, #tpu.memory_space<vmem>>, vector<1x1024x1xf32>
    %get3A_8 = vector.shape_cast %get3A_7 : vector<1x1024x1xf32> to vector<1024x1xf32>
    %add3A = arith.addf %get3A_3, %get3A_8 : vector<1024x1xf32>
    %add3A_9 = arith.constant 1.000000e+00 : f32
    %add3A_10 = vector.broadcast %add3A_9 : f32 to vector<1024x1xf32>
    %add3A_11 = arith.addf %add3A, %add3A_10 : vector<1024x1xf32>
    %rsqrt3A = math.rsqrt %add3A_11 : vector<1024x1xf32>
    %get3A_12 = arith.constant 0 : index
    %get3A_13 = arith.constant 0 : index
    %get3A_14 = vector.load %arg1[%get3A_12, %get3A_13] : memref<1024x128xf32, #tpu.memory_space<vmem>>, vector<1024x128xf32>
    %get3A_15 = arith.constant 0 : index
    %get3A_16 = arith.constant 0 : index
    %get3A_17 = vector.load %arg2[%get3A_15, %get3A_16] : memref<128x128xf32, #tpu.memory_space<vmem>>, vector<128x128xf32>
    %dot_general3A = arith.constant dense<0.000000e+00> : vector<1024x128xf32>
    %dot_general3A_18 = tpu.matmul %get3A_14, %get3A_17, %dot_general3A {dimension_numbers = #tpu.dot_dimension_numbers<[1], [0], [0], [1], [0, 0, 1, 1], [], []>, precision = #tpu.contract_precision<fp32>, transpose_lhs_hint = false} : vector<1024x128xf32>, vector<128x128xf32>, vector<1024x128xf32> -> vector<1024x128xf32>
    %mul3A = vector.broadcast %rsqrt3A : vector<1024x1xf32> to vector<1024x128xf32>
    %mul3A_19 = arith.mulf %dot_general3A_18, %mul3A : vector<1024x128xf32>
    %swap3A = arith.constant 0 : index
    %swap3A_20 = arith.constant 0 : index
    %swap3A_21 = vector.load %arg4[%swap3A, %swap3A_20] : memref<1024x128xf32, #tpu.memory_space<vmem>>, vector<1024x128xf32>
    tpu.vector_store %arg4[%swap3A, %swap3A_20], %mul3A_19 {strides = array<i32>} : memref<1024x128xf32, #tpu.memory_space<vmem>>, vector<1024x128xf32>,
    return
  }
  func.func @transform_0(%arg0: i32) -> (i32, i32) {
    %c0_i32 = arith.constant 0 : i32
    %c0_i32_0 = arith.constant 0 : i32
    return %arg0, %c0_i32 : i32, i32
  }
  func.func @transform_1(%arg0: i32) -> (i32, i32) {
    %c0_i32 = arith.constant 0 : i32
    %c0_i32_0 = arith.constant 0 : i32
    %c0_i32_1 = arith.constant 0 : i32
    return %c0_i32, %c0_i32_0 : i32, i32
  }
  func.func @transform_2(%arg0: i32) -> (i32, i32, i32) {
    %c0_i32 = arith.constant 0 : i32
    %c0_i32_0 = arith.constant 0 : i32
    %c0_i32_1 = arith.constant 0 : i32
    return %c0_i32, %arg0, %c0_i32_0 : i32, i32, i32
  }
  func.func @transform_3(%arg0: i32) -> (i32, i32) {
    %c0_i32 = arith.constant 0 : i32
    %c0_i32_0 = arith.constant 0 : i32
    return %arg0, %c0_i32 : i32, i32
  }
}

module attributes {stable_mosaic.version = 14 : i64} {
  func.func @_hidden_body(%arg0: i32, %arg1: memref<2x1024x128xf32, #tpu.memory_space<vmem>>, %arg2: memref<1024x128xf32, #tpu.memory_space<vmem>>, %arg3: memref<2x1024x16xf32, #tpu.memory_space<vmem>>, %arg4: memref<128x48xf32, #tpu.memory_space<vmem>>, %arg5: memref<1x128xf32, #tpu.memory_space<vmem>>, %arg6: memref<1x128xf32, #tpu.memory_space<vmem>>, %arg7: memref<1x128xf32, #tpu.memory_space<vmem>>, %arg8: memref<1024x48xf32, #tpu.memory_space<vmem>>) attributes {dimension_semantics = [#tpu.dimension_semantics<arbitrary>], iteration_bounds = array<i64: 10>, scalar_prefetch = 0 : i64, scratch_operands = 0 : i64, tpu.core_type = #tpu.core_type<tc>, window_params = [{transform_indices = @transform_0, window_bounds = array<i64: 2, 1024, 128>}, {transform_indices = @transform_1, window_bounds = array<i64: 1024, 128>}, {transform_indices = @transform_2, window_bounds = array<i64: 2, 1024, 16>}, {pipeline_mode = #tpu.pipeline_mode<synchronous>, transform_indices = @transform_3, window_bounds = array<i64: 128, 48>}, {pipeline_mode = #tpu.pipeline_mode<synchronous>, transform_indices = @transform_4, window_bounds = array<i64: 1, 128>}, {pipeline_mode = #tpu.pipeline_mode<synchronous>, transform_indices = @transform_5, window_bounds = array<i64: 1, 128>}, {pipeline_mode = #tpu.pipeline_mode<synchronous>, transform_indices = @transform_6, window_bounds = array<i64: 1, 128>}, {transform_indices = @transform_7, window_bounds = array<i64: 1024, 48>}]} {
    %get3A = arith.constant 0 : index
    %get3A_0 = arith.constant 0 : index
    %get3A_1 = arith.constant 0 : index
    %get3A_2 = vector.load %arg3[%get3A, %get3A_0, %get3A_1] : memref<2x1024x16xf32, #tpu.memory_space<vmem>>, vector<1x1024x1xf32>
    %get3A_3 = vector.shape_cast %get3A_2 : vector<1x1024x1xf32> to vector<1024x1xf32>
    %get3A_4 = arith.constant 1 : index
    %get3A_5 = arith.constant 0 : index
    %get3A_6 = arith.constant 0 : index
    %get3A_7 = vector.load %arg3[%get3A_4, %get3A_5, %get3A_6] : memref<2x1024x16xf32, #tpu.memory_space<vmem>>, vector<1x1024x1xf32>
    %get3A_8 = vector.shape_cast %get3A_7 : vector<1x1024x1xf32> to vector<1024x1xf32>
    %add3A = arith.addf %get3A_3, %get3A_8 : vector<1024x1xf32>
    %add3A_9 = arith.constant 1.000000e+00 : f32
    %add3A_10 = vector.broadcast %add3A_9 : f32 to vector<1024x1xf32>
    %add3A_11 = arith.addf %add3A, %add3A_10 : vector<1024x1xf32>
    %rsqrt3A = math.rsqrt %add3A_11 : vector<1024x1xf32>
    %get3A_12 = arith.constant 0 : index
    %get3A_13 = arith.constant 0 : index
    %get3A_14 = arith.constant 0 : index
    %get3A_15 = vector.load %arg1[%get3A_12, %get3A_13, %get3A_14] : memref<2x1024x128xf32, #tpu.memory_space<vmem>>, vector<1x1024x128xf32>
    %get3A_16 = vector.shape_cast %get3A_15 : vector<1x1024x128xf32> to vector<1024x128xf32>
    %get3A_17 = arith.constant 1 : index
    %get3A_18 = arith.constant 0 : index
    %get3A_19 = arith.constant 0 : index
    %get3A_20 = vector.load %arg1[%get3A_17, %get3A_18, %get3A_19] : memref<2x1024x128xf32, #tpu.memory_space<vmem>>, vector<1x1024x128xf32>
    %get3A_21 = vector.shape_cast %get3A_20 : vector<1x1024x128xf32> to vector<1024x128xf32>
    %add3A_22 = arith.addf %get3A_16, %get3A_21 : vector<1024x128xf32>
    %get3A_23 = arith.constant 0 : index
    %get3A_24 = arith.constant 0 : index
    %get3A_25 = vector.load %arg2[%get3A_23, %get3A_24] : memref<1024x128xf32, #tpu.memory_space<vmem>>, vector<1024x128xf32>
    %add3A_26 = arith.addf %add3A_22, %get3A_25 : vector<1024x128xf32>
    %mul3A = vector.broadcast %rsqrt3A : vector<1024x1xf32> to vector<1024x128xf32>
    %mul3A_27 = arith.mulf %add3A_26, %mul3A : vector<1024x128xf32>
    %get3A_28 = arith.constant 0 : index
    %get3A_29 = arith.constant 0 : index
    %get3A_30 = vector.load %arg5[%get3A_28, %get3A_29] : memref<1x128xf32, #tpu.memory_space<vmem>>, vector<1x128xf32>
    %add3A_31 = vector.broadcast %get3A_30 : vector<1x128xf32> to vector<1024x128xf32>
    %add3A_32 = arith.addf %mul3A_27, %add3A_31 : vector<1024x128xf32>
    %get3A_33 = arith.constant 0 : index
    %get3A_34 = arith.constant 0 : index
    %get3A_35 = vector.load %arg6[%get3A_33, %get3A_34] : memref<1x128xf32, #tpu.memory_space<vmem>>, vector<1x128xf32>
    %mul3A_36 = vector.broadcast %get3A_35 : vector<1x128xf32> to vector<1024x128xf32>
    %mul3A_37 = arith.mulf %add3A_32, %mul3A_36 : vector<1024x128xf32>
    %get3A_38 = arith.constant 0 : index
    %get3A_39 = arith.constant 0 : index
    %get3A_40 = vector.load %arg7[%get3A_38, %get3A_39] : memref<1x128xf32, #tpu.memory_space<vmem>>, vector<1x128xf32>
    %add3A_41 = vector.broadcast %get3A_40 : vector<1x128xf32> to vector<1024x128xf32>
    %add3A_42 = arith.addf %mul3A_37, %add3A_41 : vector<1024x128xf32>
    %max3A = arith.constant 0.000000e+00 : f32
    %max3A_43 = vector.broadcast %max3A : f32 to vector<1024x128xf32>
    %max3A_44 = arith.maximumf %add3A_42, %max3A_43 : vector<1024x128xf32>
    %get3A_45 = arith.constant 0 : index
    %get3A_46 = arith.constant 0 : index
    %get3A_47 = vector.load %arg4[%get3A_45, %get3A_46] : memref<128x48xf32, #tpu.memory_space<vmem>>, vector<128x48xf32>
    %dot_general3A = arith.constant dense<0.000000e+00> : vector<1024x48xf32>
    %dot_general3A_48 = tpu.matmul %max3A_44, %get3A_47, %dot_general3A {dimension_numbers = #tpu.dot_dimension_numbers<[1], [0], [0], [1], [0, 0, 1, 1], [], []>, precision = #tpu.contract_precision<fp32>, transpose_lhs_hint = false} : vector<1024x128xf32>, vector<128x48xf32>, vector<1024x48xf32> -> vector<1024x48xf32>
    %mul3A_49 = vector.broadcast %rsqrt3A : vector<1024x1xf32> to vector<1024x48xf32>
    %mul3A_50 = arith.mulf %dot_general3A_48, %mul3A_49 : vector<1024x48xf32>
    %swap3A = arith.constant 0 : index
    %swap3A_51 = arith.constant 0 : index
    %swap3A_52 = vector.load %arg8[%swap3A, %swap3A_51] : memref<1024x48xf32, #tpu.memory_space<vmem>>, vector<1024x48xf32>
    tpu.vector_store %arg8[%swap3A, %swap3A_51], %mul3A_50 {strides = array<i32>} : memref<1024x48xf32, #tpu.memory_space<vmem>>, vector<1024x48xf32>,
    return
  }
  func.func @transform_0(%arg0: i32) -> (i32, i32, i32) {
    %c0_i32 = arith.constant 0 : i32
    %c0_i32_0 = arith.constant 0 : i32
    %c0_i32_1 = arith.constant 0 : i32
    return %c0_i32, %arg0, %c0_i32_0 : i32, i32, i32
  }
  func.func @transform_1(%arg0: i32) -> (i32, i32) {
    %c0_i32 = arith.constant 0 : i32
    %c0_i32_0 = arith.constant 0 : i32
    return %arg0, %c0_i32 : i32, i32
  }
  func.func @transform_2(%arg0: i32) -> (i32, i32, i32) {
    %c0_i32 = arith.constant 0 : i32
    %c0_i32_0 = arith.constant 0 : i32
    %c0_i32_1 = arith.constant 0 : i32
    return %c0_i32, %arg0, %c0_i32_0 : i32, i32, i32
  }
  func.func @transform_3(%arg0: i32) -> (i32, i32) {
    %c0_i32 = arith.constant 0 : i32
    %c0_i32_0 = arith.constant 0 : i32
    %c0_i32_1 = arith.constant 0 : i32
    return %c0_i32, %c0_i32_0 : i32, i32
  }
  func.func @transform_4(%arg0: i32) -> (i32, i32) {
    %c0_i32 = arith.constant 0 : i32
    %c0_i32_0 = arith.constant 0 : i32
    %c0_i32_1 = arith.constant 0 : i32
    return %c0_i32, %c0_i32_0 : i32, i32
  }
  func.func @transform_5(%arg0: i32) -> (i32, i32) {
    %c0_i32 = arith.constant 0 : i32
    %c0_i32_0 = arith.constant 0 : i32
    %c0_i32_1 = arith.constant 0 : i32
    return %c0_i32, %c0_i32_0 : i32, i32
  }
  func.func @transform_6(%arg0: i32) -> (i32, i32) {
    %c0_i32 = arith.constant 0 : i32
    %c0_i32_0 = arith.constant 0 : i32
    %c0_i32_1 = arith.constant 0 : i32
    return %c0_i32, %c0_i32_0 : i32, i32
  }
  func.func @transform_7(%arg0: i32) -> (i32, i32) {
    %c0_i32 = arith.constant 0 : i32
    %c0_i32_0 = arith.constant 0 : i32
    return %arg0, %c0_i32 : i32, i32
  }
}

module attributes {stable_mosaic.version = 14 : i64} {
  func.func @_out_body(%arg0: i32, %arg1: memref<2x1024x48xf32, #tpu.memory_space<vmem>>, %arg2: memref<1024x48xf32, #tpu.memory_space<vmem>>, %arg3: memref<2x1024x16xf32, #tpu.memory_space<vmem>>, %arg4: memref<1x48xf32, #tpu.memory_space<vmem>>, %arg5: memref<1024x48xf32, #tpu.memory_space<vmem>>) attributes {dimension_semantics = [#tpu.dimension_semantics<arbitrary>], iteration_bounds = array<i64: 10>, scalar_prefetch = 0 : i64, scratch_operands = 0 : i64, tpu.core_type = #tpu.core_type<tc>, window_params = [{transform_indices = @transform_0, window_bounds = array<i64: 2, 1024, 48>}, {transform_indices = @transform_1, window_bounds = array<i64: 1024, 48>}, {transform_indices = @transform_2, window_bounds = array<i64: 2, 1024, 16>}, {pipeline_mode = #tpu.pipeline_mode<synchronous>, transform_indices = @transform_3, window_bounds = array<i64: 1, 48>}, {transform_indices = @transform_4, window_bounds = array<i64: 1024, 48>}]} {
    %get3A = arith.constant 0 : index
    %get3A_0 = arith.constant 0 : index
    %get3A_1 = arith.constant 0 : index
    %get3A_2 = vector.load %arg3[%get3A, %get3A_0, %get3A_1] : memref<2x1024x16xf32, #tpu.memory_space<vmem>>, vector<1x1024x1xf32>
    %get3A_3 = vector.shape_cast %get3A_2 : vector<1x1024x1xf32> to vector<1024x1xf32>
    %get3A_4 = arith.constant 1 : index
    %get3A_5 = arith.constant 0 : index
    %get3A_6 = arith.constant 0 : index
    %get3A_7 = vector.load %arg3[%get3A_4, %get3A_5, %get3A_6] : memref<2x1024x16xf32, #tpu.memory_space<vmem>>, vector<1x1024x1xf32>
    %get3A_8 = vector.shape_cast %get3A_7 : vector<1x1024x1xf32> to vector<1024x1xf32>
    %add3A = arith.addf %get3A_3, %get3A_8 : vector<1024x1xf32>
    %add3A_9 = arith.constant 1.000000e+00 : f32
    %add3A_10 = vector.broadcast %add3A_9 : f32 to vector<1024x1xf32>
    %add3A_11 = arith.addf %add3A, %add3A_10 : vector<1024x1xf32>
    %rsqrt3A = math.rsqrt %add3A_11 : vector<1024x1xf32>
    %get3A_12 = arith.constant 0 : index
    %get3A_13 = arith.constant 0 : index
    %get3A_14 = arith.constant 0 : index
    %get3A_15 = vector.load %arg1[%get3A_12, %get3A_13, %get3A_14] : memref<2x1024x48xf32, #tpu.memory_space<vmem>>, vector<1x1024x48xf32>
    %get3A_16 = vector.shape_cast %get3A_15 : vector<1x1024x48xf32> to vector<1024x48xf32>
    %get3A_17 = arith.constant 1 : index
    %get3A_18 = arith.constant 0 : index
    %get3A_19 = arith.constant 0 : index
    %get3A_20 = vector.load %arg1[%get3A_17, %get3A_18, %get3A_19] : memref<2x1024x48xf32, #tpu.memory_space<vmem>>, vector<1x1024x48xf32>
    %get3A_21 = vector.shape_cast %get3A_20 : vector<1x1024x48xf32> to vector<1024x48xf32>
    %add3A_22 = arith.addf %get3A_16, %get3A_21 : vector<1024x48xf32>
    %get3A_23 = arith.constant 0 : index
    %get3A_24 = arith.constant 0 : index
    %get3A_25 = vector.load %arg2[%get3A_23, %get3A_24] : memref<1024x48xf32, #tpu.memory_space<vmem>>, vector<1024x48xf32>
    %add3A_26 = arith.addf %add3A_22, %get3A_25 : vector<1024x48xf32>
    %mul3A = vector.broadcast %rsqrt3A : vector<1024x1xf32> to vector<1024x48xf32>
    %mul3A_27 = arith.mulf %add3A_26, %mul3A : vector<1024x48xf32>
    %get3A_28 = arith.constant 0 : index
    %get3A_29 = arith.constant 0 : index
    %get3A_30 = vector.load %arg4[%get3A_28, %get3A_29] : memref<1x48xf32, #tpu.memory_space<vmem>>, vector<1x48xf32>
    %add3A_31 = vector.broadcast %get3A_30 : vector<1x48xf32> to vector<1024x48xf32>
    %add3A_32 = arith.addf %mul3A_27, %add3A_31 : vector<1024x48xf32>
    %swap3A = arith.constant 0 : index
    %swap3A_33 = arith.constant 0 : index
    %swap3A_34 = vector.load %arg5[%swap3A, %swap3A_33] : memref<1024x48xf32, #tpu.memory_space<vmem>>, vector<1024x48xf32>
    tpu.vector_store %arg5[%swap3A, %swap3A_33], %add3A_32 {strides = array<i32>} : memref<1024x48xf32, #tpu.memory_space<vmem>>, vector<1024x48xf32>,
    return
  }
  func.func @transform_0(%arg0: i32) -> (i32, i32, i32) {
    %c0_i32 = arith.constant 0 : i32
    %c0_i32_0 = arith.constant 0 : i32
    %c0_i32_1 = arith.constant 0 : i32
    return %c0_i32, %arg0, %c0_i32_0 : i32, i32, i32
  }
  func.func @transform_1(%arg0: i32) -> (i32, i32) {
    %c0_i32 = arith.constant 0 : i32
    %c0_i32_0 = arith.constant 0 : i32
    return %arg0, %c0_i32 : i32, i32
  }
  func.func @transform_2(%arg0: i32) -> (i32, i32, i32) {
    %c0_i32 = arith.constant 0 : i32
    %c0_i32_0 = arith.constant 0 : i32
    %c0_i32_1 = arith.constant 0 : i32
    return %c0_i32, %arg0, %c0_i32_0 : i32, i32, i32
  }
  func.func @transform_3(%arg0: i32) -> (i32, i32) {
    %c0_i32 = arith.constant 0 : i32
    %c0_i32_0 = arith.constant 0 : i32
    %c0_i32_1 = arith.constant 0 : i32
    return %c0_i32, %c0_i32_0 : i32, i32
  }
  func.func @transform_4(%arg0: i32) -> (i32, i32) {
    %c0_i32 = arith.constant 0 : i32
    %c0_i32_0 = arith.constant 0 : i32
    return %arg0, %c0_i32 : i32, i32
  }
}

</mosaic_0001>

<sc_bundles>
// kernel: kernel.11.cloned.1.call-start
scs
__scs_entry_jumppad:
0x0: {  	(pc) =	sbr.rel $0x88, $3  }
0x1: {  	(tag) =	ssettag $0x0;
	lr =	simm.s32 $0x1  }
0x2: {  	[smem:$0x3F99] =	sst lr;
	_ =	strace $0xD0000000  }
0x3: {  	_ = 	snop  }
0x4: {  	_ = 	snop  }
0x5: {  	_ = 	snop  }
0x6: {  	_ = 	snop  }
0x7: {  	_ = 	snop  }
__scs_overlays_trampoline_lowered:
0x8: {  	[smem:$0x3FA8] =	sst s0  }
0x9: {  	[smem:$0x3FA9] =	sst s1  }
0xa: {  	[smem:$0x3FAA] =	sst s2  }
0xb: {  	[smem:$0x3FAB] =	sst s3  }
0xc: {  	[smem:$0x3FAC] =	sst s4  }
0xd: {  	[smem:$0x3FAD] =	sst s5  }
0xe: {  	[smem:$0x3FAE] =	sst s6  }
0xf: {  	[smem:$0x3FAF] =	sst s7  }
0x10: {  	[smem:$0x3FB0] =	sst s8  }
0x11: {  	[smem:$0x3FB1] =	sst s9;
	s0 =	simm.s32 @!p0 $0x0  }
0x12: {  	s1 =	sld [smem:$0x3F97];
	s0 =	simm.s32 @p0 $0x1  }
0x13: {  	[smem:$0x3FB2] =	sst s0;
	s0 =	simm.s32 @!p1 $0x0  }
0x14: {  	s2 =	sld [smem:$0x3F96];
	s0 =	simm.s32 @p1 $0x1  }
0x15: {  	[smem:$0x3FB3] =	sst s0;
	s0 =	simm.s32 @!p2 $0x0  }
0x16: {  	s3 =	sld [smem:$0x3FDB];
	s0 =	simm.s32 @p2 $0x1  }
0x17: {  	s4 =	simm.s32 $0x1BF5;
	[smem:$0x3FB5] =	sst s0  }
0x18: {  	s0 =	sld [smem:$0x3F98];
	_ =	swait.ge [sflag:s4], $0x0  }
0x19: {  	s7 =	sld [smem:$0x3F99]  }
0x1a: {  	s8 =	sadd.s32 $0xFFFFE003, lr  }
0x1b: {  	s9 =	sadd.s32 $0xFFFFFEF7, lr;
	s5 =	simm.s32 $0xFFFFFFFF;
	p2 =	slt.u32 s8, $0xFFFFF086  }
0x1c: {  	p1 =	slt.u32 s9, $0xF7A;
	s5 =	simm.s32 @!p2 $0x0  }
0x1d: {  	s5 =	simm.s32 @p1 $0x1;
	p0 =	seq.s32 s7, s2  }
0x1e: {  	s7 =	smul.u32 @!p0 $0xF7A, s2;
	p2 =	seq.s32 @!p0 s5, $0x0  }
0x1f: {  	s9 =	smul.u32 $0xF7A, s1;
	s8 =	simm.s32 @!p0 $0x1BF5;
	p2 =	por !p2, p0  }
0x20: {  	[sflag:s8] =	ssyncset.s32 @!p0 $0xFFFFF086;
	s6 =	sadd.s32 @!p0 s3, s7;
	s7 =	simm.s32 @!p0 $0x108  }
0x21: {  	s3 =	sadd.s32 s3, s9;
	s6 =	sadd.s32 @!p0 $0x88, s6;
	s7 =	simm.s32 @p2 $0x1082  }
0x22: {  	[simem:s7], [sflag:s8] =	dma.local @!p0 [hbm:s6], $0xF7A  }
0x23: {  	s9 =	sor.u32 $0xD0000000, s2;
	s6 =	simm.s32 $0x108;
	_ =	swait.ge @!p0 [sflag:s8], $0x0  }
0x24: {  	s3 =	sadd.s32 $0x88, s3;
	s6 =	simm.s32 @!p1 $0x1082;
	[sflag:s4] =	ssyncset.s32 $0xFFFFF086  }
0x25: {  	[simem:s6], [sflag:s4] =	dma.local [hbm:s3], $0xF7A  }
0x26: {  	[smem:$0x3F99] =	sst s1;
	(tag) =	ssettag s2;
	_ =	strace s9  }
0x27: {  	s1 =	sld [smem:$0x3FA9]  }
0x28: {  	s2 =	sld [smem:$0x3FAA]  }
0x29: {  	s4 =	sld [smem:$0x3FAC]  }
0x2a: {  	p0 =	seq.s32 s5, $0x0;
	s5 =	sld [smem:$0x3FAD]  }
0x2b: {  	s6 =	sld [smem:$0x3FAE]  }
0x2c: {  	s7 =	sld [smem:$0x3FAF]  }
0x2d: {  	s3 =	simm.s32 $0x108;
	s8 =	sld [smem:$0x3FB0]  }
0x2e: {  	s3 =	simm.s32 @!p0 $0x1082;
	s9 =	sld [smem:$0x3FB1]  }
0x2f: {  	lr =	sadd.s32 s0, s3;
	s0 =	sld [smem:$0x3FA8]  }
0x30: {  	s3 =	sld [smem:$0x3FAB]  }
0x31: {  	[smem:$0x3FB4] =	sst s10  }
0x32: {  	s10 =	sld [smem:$0x3FB2];
	_ =	sdelay $0x3  }
0x33: {  	p0 =	seq.s32 s10, $0x1;
	s10 =	sld [smem:$0x3FB4];
	_ =	sdelay $0x3  }
0x34: {  	[smem:$0x3FB4] =	sst s10  }
0x35: {  	s10 =	sld [smem:$0x3FB3];
	_ =	sdelay $0x3  }
0x36: {  	p1 =	seq.s32 s10, $0x1;
	s10 =	sld [smem:$0x3FB4];
	_ =	sdelay $0x3  }
0x37: {  	[smem:$0x3FB4] =	sst s10  }
0x38: {  	s10 =	sld [smem:$0x3FB5]  }
0x39: {  	_ = 	snop;
	(pc) =	sbr.ind lr, $3  }
0x3a: {  	_ = 	snop  }
0x3b: {  	_ = 	snop  }
0x3c: {  	p2 =	seq.s32 s10, $0x1;
	s10 =	sld [smem:$0x3FB4]  }
0x3d: {  	_ =	shalt  }
0x3e: {  	_ =	shalt  }
0x3f: {  	_ =	shalt  }
0x40: {  	_ =	shalt  }
0x41: {  	_ =	shalt  }
0x42: {  	_ =	shalt  }
0x43: {  	_ =	shalt  }
0x44: {  	_ =	shalt  }
0x45: {  	_ =	shalt  }
0x46: {  	_ =	shalt  }
0x47: {  	_ =	shalt  }
0x48: {  	_ =	shalt  }
0x49: {  	_ =	shalt  }
0x4a: {  	_ =	shalt  }
0x4b: {  	_ =	shalt  }
0x4c: {  	_ =	shalt  }
0x4d: {  	_ =	shalt  }
0x4e: {  	_ =	shalt  }
0x4f: {  	_ =	shalt  }
0x50: {  	_ =	shalt  }
0x51: {  	_ =	shalt  }
0x52: {  	_ =	shalt  }
0x53: {  	_ =	shalt  }
0x54: {  	_ =	shalt  }
0x55: {  	_ =	shalt  }
0x56: {  	_ =	shalt  }
0x57: {  	_ =	shalt  }
0x58: {  	_ =	shalt  }
0x59: {  	_ =	shalt  }
0x5a: {  	_ =	shalt  }
0x5b: {  	_ =	shalt  }
0x5c: {  	_ =	shalt  }
0x5d: {  	_ =	shalt  }
0x5e: {  	_ =	shalt  }
0x5f: {  	_ =	shalt  }
0x60: {  	_ =	shalt  }
0x61: {  	_ =	shalt  }
0x62: {  	_ =	shalt  }
0x63: {  	_ =	shalt  }
0x64: {  	_ =	shalt  }
0x65: {  	_ =	shalt  }
0x66: {  	_ =	shalt  }
0x67: {  	_ =	shalt  }
0x68: {  	_ =	shalt  }
0x69: {  	_ =	shalt  }
0x6a: {  	_ =	shalt  }
0x6b: {  	_ =	shalt  }
0x6c: {  	_ =	shalt  }
0x6d: {  	_ =	shalt  }
0x6e: {  	_ =	shalt  }
0x6f: {  	_ =	shalt  }
0x70: {  	_ =	shalt  }
0x71: {  	_ =	shalt  }
0x72: {  	_ =	shalt  }
0x73: {  	_ =	shalt  }
0x74: {  	_ =	shalt  }
0x75: {  	_ =	shalt  }
0x76: {  	_ =	shalt  }
0x77: {  	_ =	shalt  }
0x78: {  	_ =	shalt  }
0x79: {  	_ =	shalt  }
0x7a: {  	_ =	shalt  }
0x7b: {  	_ =	shalt  }
0x7c: {  	_ =	shalt  }
0x7d: {  	_ =	shalt  }
0x7e: {  	_ =	shalt  }
0x7f: {  	_ =	shalt  }
0x80: {  	_ =	shalt  }
0x81: {  	_ =	shalt  }
0x82: {  	_ =	shalt  }
0x83: {  	_ =	shalt  }
0x84: {  	_ =	shalt  }
0x85: {  	_ =	shalt  }
0x86: {  	_ =	shalt  }
0x87: {  	_ =	shalt  }
.Lfunc_end0:
.L_simem_size_0:
called_computation.1_lowered:
.L_overlay_start_0:
0x88: {  	s2 =	sld [smem:$0x3FD9]  }
0x89: {  	s3 =	sld [smem:$0x3FFE];
	_ =	sdelay $0x1  }
0x8a: {  	s1 =	srdreg.scid  }
0x8b: {  	s0 =	sand.u32 $0x1, s1  }
0x8c: {  	s16 =	sshll.u32 s0, $0xA;
	s2 =	sadd.s32 s3, s2  }
0x8d: {  	s2 =	sadd.s32 s2, s16  }
0x8e: {  	[smem:$0x3FC0] =	sst s2  }
0x8f: {  	_ = 	snop  }
0x90: {  	(tm) =	ssettm $0x1  }
0x91: {  	s17 =	sld [smem:$0x3FFB];
	_ =	sdelay $0x3  }
0x92: {  	_ =	strace s17  }
0x93: {  	s2 =	sld [smem:$0x3FFC];
	_ =	sdelay $0x3  }
0x94: {  	_ =	strace s2  }
0x95: {  	s2 =	sld [smem:$0x3FFD];
	_ =	sdelay $0x3  }
0x96: {  	_ =	strace s2  }
0x97: {  	_ =	strace $0x8FFFFFFF  }
0x98: {  	s18 =	sld [smem:$0x3FDB];
	_ =	sdelay $0x1  }
0x99: {  	s19 =	simm.s32 $_scs_section_size  }
0x9a: {  	s4 =	simm.s32 $_size__tile_overlayer_lowered;
	s5 =	simm.s32 $_tile_overlayer_lowered  }
0x9b: {  	s22 =	simm.s32 $0x1BFF;
	s21 =	sshll.u32 s5, $0x1;
	s2 =	sadd.s32 s19, s18  }
0x9c: {  	s6 =	simm.s32 $0x0;
	s20 =	sshll.u32 s4, $0x1;
	s4 =	sadd.s32 s21, s2  }
0x9d: {  	[timem:s6], [sflag:s22] =	dma.local [hbm:s4], s20  }
0x9e: {  	_ =	swait.ge [sflag:s22], s20  }
0x9f: {  	s3 =	ssub.s32 $0x0, s20;
	[sflag:s22] =	ssyncset.done $0x0  }
0xa0: {  	[sflag:s22] =	ssyncadd.s32 s3;
	_ =	sdelay $0x1  }
0xa1: {  	s23 =	simm.s32 $0x1B8B  }
0xa2: {  	_ =	swait.ge [sflag:s23], $0x1  }
0xa3: {  	[sflag:s23] =	ssyncset.done $0x0  }
0xa4: {  	s25 =	simm.s32 $0x1B8E;
	s24 =	sld [smem:$0x3FFE];
	[sflag:s23] =	ssyncadd.s32 $0xFFFFFFFF  }
0xa5: {  	s26 =	simm.s32 $execute0_lowered;
	[smem:$0x3FD2] =	sst s25  }
0xa6: {  	s4 =	sshll.u32 s26, $0x1;
	_ =	strace $0x80000049;
	[dreg:$0x1] =	wrdreg $0xFFFFFFFF  }
0xa7: {  	s28 =	simm.s32 $_size_execute0_lowered;
	s2 =	sadd.s32 s2, s4;
	[dreg:$0x0] =	wrdreg $0x0  }
0xa8: {  	s4 =	sshll.u32 s28, $0x1;
	[dreg:$0x2] =	wrdreg s2  }
0xa9: {  	[dreg:$0x3] =	wrdreg s4  }
0xaa: {  	[dreg:$0x4] =	wrdreg $0xC0  }
0xab: {  	_ =	task [dreg:s6], $0x5FFFF  }
0xac: {  	[dreg:$0x1] =	wrdreg $0xFFFFFFFF  }
0xad: {  	[dreg:$0x0] =	wrdreg $0x60  }
0xae: {  	[dreg:$0x2] =	wrdreg s24  }
0xaf: {  	[dreg:$0x3] =	wrdreg $0xA8000  }
0xb0: {  	[dreg:$0x4] =	wrdreg $0x9  }
0xb1: {  	_ =	task.clear_ibuf [dreg:s6], $0x5FFFF;
	_ =	strace $0x90000049  }
0xb2: {  	s29 =	simm.s32 $0x9;
	_ =	strace $0x8000004B  }
0xb3: {  	_ =	swait.ge [sflag:s29], $0x1  }
0xb4: {  	[sflag:s29] =	ssyncadd.s32 $0xFFFFFFFF  }
0xb5: {  	_ =	strace $0x9000004B  }
0xb6: {  	_ =	sfence  }
0xb7: {  	s30 =	sld [smem:$0x0];
	_ =	sdelay $0x2  }
0xb8: {  	s31 =	sshll.u32 s1, $0xD;
	s1 =	sshrl.u32 s1, $0x2  }
0xb9: {  	s3 =	sand.u32 $0x4000, s31;
	s1 =	sadd.s32 s1, s30  }
0xba: {  	s0 =	sor.u32 s3, s0;
	s1 =	sshll.u32 s1, $0x11  }
0xbb: {  	s0 =	sor.u32 s1, s0  }
0xbc: {  	s0 =	sadd.s32 $0x8F2B, s0  }
0xbd: {  	[sflag:s0] =	ssyncadd.remote.s32 $0x1  }
0xbe: {  	_ =	sfence.sel $0xFFFF  }
0xbf: {  	[dreg:$0x0] =	wrdreg $0xFFFFFFFF;
	(pc) =	sbr.abs _section_cstart, $3  }
0xc0: {  	[dreg:$0x1] =	wrdreg $0xFFFFFFFF  }
0xc1: {  	_ =	task.clear_ibuf [dreg:s6], $0x2FFFF;
	_ =	strace $0x9FFFFFFF  }
0xc2: {  	(tm) =	ssettm $0x7FFFFFFF  }
0xc3: {  	_ =	shalt  }
tec
execute0_lowered:
.L_overlay_start_1:
0x0: {  	(tag) =	ssettag $0x1  }
0x1: {  	s5 =	rddreg [dreg:$0x0]  }
0x2: {  	s1 =	rddreg [dreg:$0x1];
	s2 =	simm.s32 $0x0  }
0x3: {  	s3 =	srdreg.scid;
	s16 =	simm.s32 $0x2800;
	s17 =	simm.s32 $0x3  }
0x4: {  	s18 =	simm.s32 $0x1400;
	s19 =	simm.s32 $0x80;
	s20 =	simm.s32 $0x6800  }
0x5: {  	s21 =	simm.s32 $0x1;
	s22 =	simm.s32 $0x2;
	s23 =	simm.s32 $0x1380  }
0x6: {  	s24 =	simm.s32 $0x2700;
	s25 =	simm.s32 $0x2780;
	s26 =	simm.s32 $0x0  }
0x7: {  	[smem:$0x7FF] =	sst s2;
	s6 =	sand.u32 $0x1, s3;
	s3 =	stileid.u32  }
0x8: {  	s4 =	sadd.s32 $0x70800, s5;
	s10 =	sadd.s32 $0xC800, s5;
	s7 =	smul.u32 $0x28000, s6  }
0x9: {  	s12 =	sadd.s32 $0x2800, s5;
	s8 =	smul.u32 $0x2800, s3;
	s9 =	sshll.u32 s6, $0x4  }
0xa: {  	s11 =	smul.u32 $0x50000, s3;
	s6 =	ssub.s32 $0x2, s6;
	s9 =	sor.u32 s3, s9  }
0xb: {  	_ =	strace $0x8000004A;
	s29 =	sshrl.u32 s6, $0x1;
	s28 =	smul.u32 $0x2800, s9  }
0xc: {  	s7 =	sadd.s32 s8, s7;
	s30 =	sshrl.u32 s11, $0x2;
	s9 =	smul.u32 $0x500, s9  }
0xd: {  	s31 =	ssub.s32 s6, s29;
	s13 =	sadd.s32 s7, s5;
	s5 =	sadd.s32 s30, s1  }
0xe: {  	s11 =	smax.u32 s31, $0x1;
	s8 =	sshrl.u32 s28, $0x3;
	s6 =	sadd.s32 s10, s9  }
0xf: {  	s7 =	sadd.s32 s12, s9;
	s15 =	sadd.s32 $0x10000, s5;
	s14 =	sadd.s32 $0x280, s8  }
0x10: {  	s8 =	sadd.s32 s10, s14;
	s9 =	sadd.s32 s12, s14;
	s10 =	sadd.s32 $0x98800, s13  }
0x11: {  	v0 =	vimm.f32 $0.0e+00;
	s12 =	sadd.s32 $0x4000, s5;
	s13 =	sadd.s32 $0x8000, s5;
	s14 =	sadd.s32 $0xC000, s5  }
.LBB2_1:
0x12: {  	s28 =	sand.u32 $0xFE00, s2  }
0x13: {  	s29 =	sand.u32 $0x70, s2;
	s30 =	sshrl.u32 s28, $0x2  }
0x14: {  	s28 =	simm.s32 $0x40;
	s30 =	sor.u32 s29, s30;
	s29 =	simm.s32 $0x0  }
.LBB2_2:
0x15: {  	p0 =	sne.s32 s28, $0xFFC0  }
0x16: {  	[tilespmem:s30+$0x2800] =	vst v0;
	s29 =	sadd.s32 $0x10, s29;
	s30 =	smov.u32 s28;
	s28 =	sadd.s32 $0x40, s28  }
.Ltmp0:
0x17: {  	(pc) =	sbr.rel @p0 .LBB2_2-.Ltmp0, $4  }
0x18: {  	_ = 	snop  }
0x19: {  	s30 =	sand.u32 $0xFE00, s30  }
0x1a: {  	s31 =	sand.u32 $0x70, s29;
	s30 =	sshrl.u32 s30, $0x2  }
0x1b: {  	s30 =	sor.u32 s31, s30  }
0x1c: {  	[tilespmem:s30+$0x2800] =	vst v0  }
0x1d: {  	[spmem:s5] =	stream.linear.scatter [tilespmem:s16], [sflag:$0x3], $0x4000, $0x38;
	[tilespmem:$0x1E800] =	vst v63  }
0x1e: {  	_ =	swait.ge [sflag:s17], $0x4000  }
0x1f: {  	[sflag:s17] =	ssyncset.done $0x0  }
0x20: {  	[sflag:s17] =	ssyncadd.s32 $0xFFFFC000  }
0x21: {  	[spmem:s12] =	stream.linear.scatter [tilespmem:s16], [sflag:$0x3], $0x4000, $0x38;
	[tilespmem:$0x1E800] =	vst v63  }
0x22: {  	_ =	swait.ge [sflag:s17], $0x4000  }
0x23: {  	[sflag:s17] =	ssyncset.done $0x0  }
0x24: {  	[sflag:s17] =	ssyncadd.s32 $0xFFFFC000  }
0x25: {  	[spmem:s13] =	stream.linear.scatter [tilespmem:s16], [sflag:$0x3], $0x4000, $0x38;
	[tilespmem:$0x1E800] =	vst v63  }
0x26: {  	_ =	swait.ge [sflag:s17], $0x4000  }
0x27: {  	[sflag:s17] =	ssyncset.done $0x0  }
0x28: {  	[sflag:s17] =	ssyncadd.s32 $0xFFFFC000  }
0x29: {  	[spmem:s14] =	stream.linear.scatter [tilespmem:s16], [sflag:$0x3], $0x4000, $0x38;
	[tilespmem:$0x1E800] =	vst v63  }
0x2a: {  	_ =	swait.ge [sflag:s17], $0x4000  }
0x2b: {  	[sflag:s17] =	ssyncset.done $0x0  }
0x2c: {  	[sflag:s17] =	ssyncadd.s32 $0xFFFFC000  }
0x2d: {  	[spmem:s15] =	stream.linear.scatter [tilespmem:s16], [sflag:$0x3], $0x4000, $0x38;
	[tilespmem:$0x1E800] =	vst v63  }
0x2e: {  	_ =	swait.ge [sflag:s17], $0x4000  }
0x2f: {  	[sflag:s17] =	ssyncset.done $0x0  }
0x30: {  	[sflag:s17] =	ssyncadd.s32 $0xFFFFC000  }
0x31: {  	s28 =	simm.s32 $0x0;
	[bflag:$0x0] =	sbarrier.arrive $0xFFFF  }
0x32: {  	[tilespmem:s28], [sflag:$0x3] =	stream.linear.gather [hbm4b:s6+s28], $0x1400, $0x38;
	[tilespmem:$0x1E800] =	vst v63  }
0x33: {  	_ =	swait.ge [sflag:s17], $0x1400  }
0x34: {  	[sflag:s17] =	ssyncset.done $0x0  }
0x35: {  	[sflag:s17] =	ssyncadd.s32 $0xFFFFEC00  }
0x36: {  	[tilespmem:s18], [sflag:$0x3] =	stream.linear.gather [hbm4b:s7+s28], $0x1400, $0x38;
	[tilespmem:$0x1E800] =	vst v63  }
0x37: {  	_ =	swait.ge [sflag:s17], $0x1400  }
0x38: {  	[sflag:s17] =	ssyncset.done $0x0  }
0x39: {  	[sflag:s17] =	ssyncadd.s32 $0xFFFFEC00  }
0x3a: {  	[tilespmem:s16], [sflag:$0x1] =	stream.indirect.gather [hbm4b:s4+s19], $0x80, s28, s19, $0xb8;
	[tilespmem:$0x1E800] =	vst v63  }
0x3b: {  	s28 =	simm.s32 $0x80  }
0x3c: {  	[tilespmem:s20], [sflag:$0x2] =	stream.indirect.gather [hbm4b:s4+s19], $0x80, s28, s19, $0xb8;
	[tilespmem:$0x1E800] =	vst v63  }
0x3d: {  	_ =	swait.ge [sflag:s21], $0x4000  }
0x3e: {  	[sflag:s21] =	ssyncset.done $0x0  }
0x3f: {  	s28 =	simm.s32 $0x1400;
	[sflag:s21] =	ssyncadd.s32 $0xFFFFC000  }
0x40: {  	[spmem:s1] =	stream.indirect.scatter.add.f32 [tilespmem:s16], [sflag:$0x3], $0x80, s28, s19, $0xb8;
	[tilespmem:$0x1E800] =	vst v63  }
0x41: {  	_ =	swait.ge [sflag:s17], $0x4000  }
0x42: {  	[sflag:s17] =	ssyncset.done $0x0  }
0x43: {  	s28 =	simm.s32 $0x100;
	[sflag:s17] =	ssyncadd.s32 $0xFFFFC000  }
0x44: {  	[tilespmem:s16], [sflag:$0x1] =	stream.indirect.gather [hbm4b:s4+s19], $0x80, s28, s19, $0xb8;
	[tilespmem:$0x1E800] =	vst v63  }
0x45: {  	_ =	swait.ge [sflag:s22], $0x4000  }
0x46: {  	[sflag:s22] =	ssyncset.done $0x0  }
0x47: {  	s28 =	simm.s32 $0x1480;
	[sflag:s22] =	ssyncadd.s32 $0xFFFFC000  }
0x48: {  	[spmem:s1] =	stream.indirect.scatter.add.f32 [tilespmem:s20], [sflag:$0x3], $0x80, s28, s19, $0xb8;
	[tilespmem:$0x1E800] =	vst v63  }
0x49: {  	_ =	swait.ge [sflag:s17], $0x4000  }
0x4a: {  	s29 =	simm.s32 $0x800;
	s28 =	simm.s32 $0x100;
	[sflag:s17] =	ssyncset.done $0x0  }
.LBB2_4:
0x4b: {  	s30 =	sadd.s32 $0x80, s28  }
0x4c: {  	[sflag:s17] =	ssyncadd.s32 $0xFFFFC000;
	s31 =	smov.u32 s29;
	s0 =	sadd.s32 $0x400, s29  }
0x4d: {  	[tilespmem:s20], [sflag:$0x2] =	stream.indirect.gather [hbm4b:s4+s19], $0x80, s30, s19, $0xb8;
	[tilespmem:$0x1E800] =	vst v63  }
0x4e: {  	p0 =	sne.s32 s29, $0x4800;
	_ =	swait.ge [sflag:s21], $0x4000  }
0x4f: {  	[sflag:s21] =	ssyncset.done $0x0  }
0x50: {  	s29 =	sadd.s32 $0x1400, s28;
	[sflag:s21] =	ssyncadd.s32 $0xFFFFC000  }
0x51: {  	[spmem:s1] =	stream.indirect.scatter.add.f32 [tilespmem:s16], [sflag:$0x3], $0x80, s29, s19, $0xb8;
	[tilespmem:$0x1E800] =	vst v63  }
0x52: {  	_ =	swait.ge [sflag:s17], $0x4000  }
0x53: {  	[sflag:s17] =	ssyncset.done $0x0  }
0x54: {  	s29 =	sadd.s32 $0x100, s28;
	[sflag:s17] =	ssyncadd.s32 $0xFFFFC000  }
0x55: {  	[tilespmem:s16], [sflag:$0x1] =	stream.indirect.gather [hbm4b:s4+s19], $0x80, s29, s19, $0xb8;
	[tilespmem:$0x1E800] =	vst v63  }
0x56: {  	_ =	swait.ge [sflag:s22], $0x4000  }
.Ltmp1:
0x57: {  	[sflag:s22] =	ssyncset.done $0x0;
	(pc) =	sbr.rel @p0 .LBB2_4-.Ltmp1, $4  }
0x58: {  	s28 =	sadd.s32 $0x1480, s28;
	[sflag:s22] =	ssyncadd.s32 $0xFFFFC000  }
0x59: {  	[spmem:s1] =	stream.indirect.scatter.add.f32 [tilespmem:s20], [sflag:$0x3], $0x80, s28, s19, $0xb8;
	[tilespmem:$0x1E800] =	vst v63  }
0x5a: {  	_ =	swait.ge [sflag:s17], $0x4000  }
0x5b: {  	s29 =	smov.u32 s0;
	s28 =	sshra.s32 s31, $0x2;
	[sflag:s17] =	ssyncset.done $0x0  }
0x5c: {  	s0 =	sadd.s32 $0x80, s28;
	[sflag:s17] =	ssyncadd.s32 $0xFFFFC000  }
0x5d: {  	[tilespmem:s20], [sflag:$0x2] =	stream.indirect.gather [hbm4b:s4+s19], $0x80, s0, s19, $0xb8;
	[tilespmem:$0x1E800] =	vst v63  }
0x5e: {  	_ =	swait.ge [sflag:s21], $0x4000  }
0x5f: {  	[sflag:s21] =	ssyncset.done $0x0  }
0x60: {  	s30 =	sadd.s32 $0x1400, s28;
	[sflag:s21] =	ssyncadd.s32 $0xFFFFC000  }
0x61: {  	[spmem:s1] =	stream.indirect.scatter.add.f32 [tilespmem:s16], [sflag:$0x3], $0x80, s30, s19, $0xb8;
	[tilespmem:$0x1E800] =	vst v63  }
0x62: {  	_ =	swait.ge [sflag:s17], $0x4000  }
0x63: {  	[sflag:s17] =	ssyncset.done $0x0  }
0x64: {  	s31 =	sadd.s32 $0x100, s28;
	[sflag:s17] =	ssyncadd.s32 $0xFFFFC000  }
0x65: {  	[tilespmem:s16], [sflag:$0x1] =	stream.indirect.gather [hbm4b:s4+s19], $0x80, s31, s19, $0xb8;
	[tilespmem:$0x1E800] =	vst v63  }
0x66: {  	_ =	swait.ge [sflag:s22], $0x4000  }
0x67: {  	[sflag:s22] =	ssyncset.done $0x0  }
0x68: {  	s30 =	sadd.s32 $0x1480, s28;
	[sflag:s22] =	ssyncadd.s32 $0xFFFFC000  }
0x69: {  	[spmem:s1] =	stream.indirect.scatter.add.f32 [tilespmem:s20], [sflag:$0x3], $0x80, s30, s19, $0xb8;
	[tilespmem:$0x1E800] =	vst v63  }
0x6a: {  	_ =	swait.ge [sflag:s17], $0x4000  }
0x6b: {  	[sflag:s17] =	ssyncset.done $0x0  }
0x6c: {  	[sflag:s17] =	ssyncadd.s32 $0xFFFFC000  }
0x6d: {  	[tilespmem:s20], [sflag:$0x2] =	stream.indirect.gather [hbm4b:s4+s19], $0x80, s23, s19, $0xb8;
	[tilespmem:$0x1E800] =	vst v63  }
0x6e: {  	_ =	swait.ge [sflag:s21], $0x4000  }
0x6f: {  	[sflag:s21] =	ssyncset.done $0x0  }
0x70: {  	[sflag:s21] =	ssyncadd.s32 $0xFFFFC000  }
0x71: {  	[spmem:s1] =	stream.indirect.scatter.add.f32 [tilespmem:s16], [sflag:$0x3], $0x80, s24, s19, $0xb8;
	[tilespmem:$0x1E800] =	vst v63  }
0x72: {  	_ =	swait.ge [sflag:s17], $0x4000  }
0x73: {  	[sflag:s17] =	ssyncset.done $0x0  }
0x74: {  	[sflag:s17] =	ssyncadd.s32 $0xFFFFC000  }
0x75: {  	_ =	swait.ge [sflag:s22], $0x4000  }
0x76: {  	[sflag:s22] =	ssyncset.done $0x0  }
0x77: {  	[sflag:s22] =	ssyncadd.s32 $0xFFFFC000  }
0x78: {  	[spmem:s1] =	stream.indirect.scatter.add.f32 [tilespmem:s20], [sflag:$0x3], $0x80, s25, s19, $0xb8;
	[tilespmem:$0x1E800] =	vst v63  }
0x79: {  	_ =	swait.ge [sflag:s17], $0x4000  }
0x7a: {  	[sflag:s17] =	ssyncset.done $0x0  }
0x7b: {  	s31 =	simm.s32 $0x0;
	[sflag:s17] =	ssyncadd.s32 $0xFFFFC000  }
0x7c: {  	[tilespmem:s31], [sflag:$0x3] =	stream.linear.gather [hbm4b:s8+s31], $0x1400, $0x38;
	[tilespmem:$0x1E800] =	vst v63  }
0x7d: {  	_ =	swait.ge [sflag:s17], $0x1400  }
0x7e: {  	[sflag:s17] =	ssyncset.done $0x0  }
0x7f: {  	[sflag:s17] =	ssyncadd.s32 $0xFFFFEC00  }
0x80: {  	[tilespmem:s18], [sflag:$0x3] =	stream.linear.gather [hbm4b:s9+s31], $0x1400, $0x38;
	[tilespmem:$0x1E800] =	vst v63  }
0x81: {  	_ =	swait.ge [sflag:s17], $0x1400  }
0x82: {  	[sflag:s17] =	ssyncset.done $0x0  }
0x83: {  	[sflag:s17] =	ssyncadd.s32 $0xFFFFEC00  }
0x84: {  	[tilespmem:s16], [sflag:$0x1] =	stream.indirect.gather [hbm4b:s4+s19], $0x80, s31, s19, $0xb8;
	[tilespmem:$0x1E800] =	vst v63  }
0x85: {  	s30 =	simm.s32 $0x80  }
0x86: {  	[tilespmem:s20], [sflag:$0x2] =	stream.indirect.gather [hbm4b:s4+s19], $0x80, s30, s19, $0xb8;
	[tilespmem:$0x1E800] =	vst v63  }
0x87: {  	_ =	swait.ge [sflag:s21], $0x4000  }
0x88: {  	[sflag:s21] =	ssyncset.done $0x0  }
0x89: {  	s31 =	simm.s32 $0x1400;
	[sflag:s21] =	ssyncadd.s32 $0xFFFFC000  }
0x8a: {  	[spmem:s1] =	stream.indirect.scatter.add.f32 [tilespmem:s16], [sflag:$0x3], $0x80, s31, s19, $0xb8;
	[tilespmem:$0x1E800] =	vst v63  }
0x8b: {  	_ =	swait.ge [sflag:s17], $0x4000  }
0x8c: {  	[sflag:s17] =	ssyncset.done $0x0  }
0x8d: {  	s30 =	simm.s32 $0x100;
	[sflag:s17] =	ssyncadd.s32 $0xFFFFC000  }
0x8e: {  	[tilespmem:s16], [sflag:$0x1] =	stream.indirect.gather [hbm4b:s4+s19], $0x80, s30, s19, $0xb8;
	[tilespmem:$0x1E800] =	vst v63  }
0x8f: {  	_ =	swait.ge [sflag:s22], $0x4000  }
0x90: {  	[sflag:s22] =	ssyncset.done $0x0  }
0x91: {  	s31 =	simm.s32 $0x1480;
	[sflag:s22] =	ssyncadd.s32 $0xFFFFC000  }
0x92: {  	[spmem:s1] =	stream.indirect.scatter.add.f32 [tilespmem:s20], [sflag:$0x3], $0x80, s31, s19, $0xb8;
	[tilespmem:$0x1E800] =	vst v63  }
0x93: {  	_ =	swait.ge [sflag:s17], $0x4000  }
0x94: {  	s29 =	simm.s32 $0x800;
	s28 =	simm.s32 $0x100;
	[sflag:s17] =	ssyncset.done $0x0  }
.LBB2_6:
0x95: {  	s0 =	sadd.s32 $0x80, s28  }
0x96: {  	[sflag:s17] =	ssyncadd.s32 $0xFFFFC000;
	s30 =	smov.u32 s29;
	s31 =	sadd.s32 $0x400, s29  }
0x97: {  	[tilespmem:s20], [sflag:$0x2] =	stream.indirect.gather [hbm4b:s4+s19], $0x80, s0, s19, $0xb8;
	[tilespmem:$0x1E800] =	vst v63  }
0x98: {  	p0 =	sne.s32 s29, $0x4800;
	_ =	swait.ge [sflag:s21], $0x4000  }
0x99: {  	[sflag:s21] =	ssyncset.done $0x0  }
0x9a: {  	s0 =	sadd.s32 $0x1400, s28;
	[sflag:s21] =	ssyncadd.s32 $0xFFFFC000  }
0x9b: {  	[spmem:s1] =	stream.indirect.scatter.add.f32 [tilespmem:s16], [sflag:$0x3], $0x80, s0, s19, $0xb8;
	[tilespmem:$0x1E800] =	vst v63  }
0x9c: {  	_ =	swait.ge [sflag:s17], $0x4000  }
0x9d: {  	[sflag:s17] =	ssyncset.done $0x0  }
0x9e: {  	s0 =	sadd.s32 $0x100, s28;
	[sflag:s17] =	ssyncadd.s32 $0xFFFFC000  }
0x9f: {  	[tilespmem:s16], [sflag:$0x1] =	stream.indirect.gather [hbm4b:s4+s19], $0x80, s0, s19, $0xb8;
	[tilespmem:$0x1E800] =	vst v63  }
0xa0: {  	_ =	swait.ge [sflag:s22], $0x4000  }
.Ltmp2:
0xa1: {  	[sflag:s22] =	ssyncset.done $0x0;
	(pc) =	sbr.rel @p0 .LBB2_6-.Ltmp2, $4  }
0xa2: {  	s0 =	sadd.s32 $0x1480, s28;
	[sflag:s22] =	ssyncadd.s32 $0xFFFFC000  }
0xa3: {  	[spmem:s1] =	stream.indirect.scatter.add.f32 [tilespmem:s20], [sflag:$0x3], $0x80, s0, s19, $0xb8;
	[tilespmem:$0x1E800] =	vst v63  }
0xa4: {  	_ =	swait.ge [sflag:s17], $0x4000  }
0xa5: {  	s29 =	smov.u32 s31;
	s28 =	sshra.s32 s30, $0x2;
	[sflag:s17] =	ssyncset.done $0x0  }
0xa6: {  	s0 =	sadd.s32 $0x80, s28;
	[sflag:s17] =	ssyncadd.s32 $0xFFFFC000  }
0xa7: {  	[tilespmem:s20], [sflag:$0x2] =	stream.indirect.gather [hbm4b:s4+s19], $0x80, s0, s19, $0xb8;
	[tilespmem:$0x1E800] =	vst v63  }
0xa8: {  	_ =	swait.ge [sflag:s21], $0x4000  }
0xa9: {  	[sflag:s21] =	ssyncset.done $0x0  }
0xaa: {  	s30 =	sadd.s32 $0x1400, s28;
	[sflag:s21] =	ssyncadd.s32 $0xFFFFC000  }
0xab: {  	[spmem:s1] =	stream.indirect.scatter.add.f32 [tilespmem:s16], [sflag:$0x3], $0x80, s30, s19, $0xb8;
	[tilespmem:$0x1E800] =	vst v63  }
0xac: {  	_ =	swait.ge [sflag:s17], $0x4000  }
0xad: {  	[sflag:s17] =	ssyncset.done $0x0  }
0xae: {  	s31 =	sadd.s32 $0x100, s28;
	[sflag:s17] =	ssyncadd.s32 $0xFFFFC000  }
0xaf: {  	[tilespmem:s16], [sflag:$0x1] =	stream.indirect.gather [hbm4b:s4+s19], $0x80, s31, s19, $0xb8;
	[tilespmem:$0x1E800] =	vst v63  }
0xb0: {  	_ =	swait.ge [sflag:s22], $0x4000  }
0xb1: {  	[sflag:s22] =	ssyncset.done $0x0  }
0xb2: {  	s29 =	sadd.s32 $0x1480, s28;
	[sflag:s22] =	ssyncadd.s32 $0xFFFFC000  }
0xb3: {  	[spmem:s1] =	stream.indirect.scatter.add.f32 [tilespmem:s20], [sflag:$0x3], $0x80, s29, s19, $0xb8;
	[tilespmem:$0x1E800] =	vst v63  }
0xb4: {  	_ =	swait.ge [sflag:s17], $0x4000  }
0xb5: {  	[sflag:s17] =	ssyncset.done $0x0  }
0xb6: {  	[sflag:s17] =	ssyncadd.s32 $0xFFFFC000  }
0xb7: {  	[tilespmem:s20], [sflag:$0x2] =	stream.indirect.gather [hbm4b:s4+s19], $0x80, s23, s19, $0xb8;
	[tilespmem:$0x1E800] =	vst v63  }
0xb8: {  	_ =	swait.ge [sflag:s21], $0x4000  }
0xb9: {  	[sflag:s21] =	ssyncset.done $0x0  }
0xba: {  	[sflag:s21] =	ssyncadd.s32 $0xFFFFC000  }
0xbb: {  	[spmem:s1] =	stream.indirect.scatter.add.f32 [tilespmem:s16], [sflag:$0x3], $0x80, s24, s19, $0xb8;
	[tilespmem:$0x1E800] =	vst v63  }
0xbc: {  	_ =	swait.ge [sflag:s17], $0x4000  }
0xbd: {  	[sflag:s17] =	ssyncset.done $0x0  }
0xbe: {  	[sflag:s17] =	ssyncadd.s32 $0xFFFFC000  }
0xbf: {  	_ =	swait.ge [sflag:s22], $0x4000  }
0xc0: {  	[sflag:s22] =	ssyncset.done $0x0  }
0xc1: {  	[sflag:s22] =	ssyncadd.s32 $0xFFFFC000  }
0xc2: {  	[spmem:s1] =	stream.indirect.scatter.add.f32 [tilespmem:s20], [sflag:$0x3], $0x80, s25, s19, $0xb8;
	[tilespmem:$0x1E800] =	vst v63  }
0xc3: {  	_ =	swait.ge [sflag:s17], $0x4000  }
0xc4: {  	s26 =	sadd.s32 $0x1, s26;
	s30 =	sshll.u32 s3, $0x6;
	[sflag:s17] =	ssyncset.done $0x0  }
0xc5: {  	p0 =	sne.s32 s26, s11;
	s0 =	sor.u32 $0x1C03, s30;
	[sflag:s17] =	ssyncadd.s32 $0xFFFFC000  }
.Ltmp3:
0xc6: {  	s31 =	sshrl.u32 s5, $0x3;
	[bflag:$0x0] =	sbarrier.arrive $0xFFFF;
	(pc) =	sbr.rel @p0 .LBB2_1-.Ltmp3, $4  }
0xc7: {  	[hbm:s10], [sflag:s0] =	dma.local [spmem:s31], $0x2800  }
0xc8: {  	_ =	swait.ge [sflag:s17], $0x2800  }
0xc9: {  	[sflag:s17] =	ssyncset.done $0x0  }
0xca: {  	[sflag:s17] =	ssyncadd.s32 $0xFFFFD800  }
0xcb: {  	_ =	sfence.sel $0x180000  }
0xcc: {  	[bflag:$0x0] =	sbarrier.arrive $0xFFFF  }
0xcd: {  	_ =	strace $0x9000004A  }
0xce: {  	[bflag:$0x2] =	sbarrier.arrive $0xFFFF  }
0xcf: {  	p0 =	sne.s32 s3, $0x0;
	s0 =	rddreg [dreg:$0x2]  }
0xd0: {  	s0 =	sadd.s32 @!p0 $0x100000, s0  }
0xd1: {  	[sflag:s0] =	ssyncadd.tile.s32 @!p0 $0x1;
	_ =	shalt  }
.Lfunc_end2:
_tile_overlayer_lowered:
.L_overlay_start_2:
0xd2: {  	(tag) =	ssettag $0x2  }
0xd3: {  	s0 =	rddreg [dreg:$0x0];
	s2 =	stileid.u32  }
0xd4: {  	s1 =	rddreg [dreg:$0x1];
	p0 =	sne.s32 s2, $0x0  }
0xd5: {  	s3 =	rddreg [dreg:$0x2];
	[bflag:$0x3] =	sbarrier.arrive $0xFFFF;
	s2 =	simm.s32 @!p0 $0x1C03  }
0xd6: {  	[timem:s3], [sflag:s2] =	dma.local @!p0 [hbm:s0], s1  }
0xd7: {  	s0 =	simm.s32 @!p0 $0x3  }
0xd8: {  	_ =	swait.ge @!p0 [sflag:s0], s1  }
0xd9: {  	s1 =	ssub.s32 @!p0 $0x0, s1;
	[sflag:s0] =	ssyncset.done @!p0 $0x0  }
0xda: {  	[sflag:s0] =	ssyncadd.s32 @!p0 s1  }
0xdb: {  	[bflag:$0x3] =	sbarrier.arrive $0xFFFF  }
0xdc: {  	_ =	shalt  }

// kernel: kernel.14.cloned.1.call-start
scs
__scs_entry_jumppad:
0x0: {  	(pc) =	sbr.rel $0x88, $3  }
0x1: {  	(tag) =	ssettag $0x0;
	lr =	simm.s32 $0x1  }
0x2: {  	[smem:$0x3F99] =	sst lr;
	_ =	strace $0xD0000000  }
0x3: {  	_ = 	snop  }
0x4: {  	_ = 	snop  }
0x5: {  	_ = 	snop  }
0x6: {  	_ = 	snop  }
0x7: {  	_ = 	snop  }
__scs_overlays_trampoline_lowered:
0x8: {  	[smem:$0x3FA8] =	sst s0  }
0x9: {  	[smem:$0x3FA9] =	sst s1  }
0xa: {  	[smem:$0x3FAA] =	sst s2  }
0xb: {  	[smem:$0x3FAB] =	sst s3  }
0xc: {  	[smem:$0x3FAC] =	sst s4  }
0xd: {  	[smem:$0x3FAD] =	sst s5  }
0xe: {  	[smem:$0x3FAE] =	sst s6  }
0xf: {  	[smem:$0x3FAF] =	sst s7  }
0x10: {  	[smem:$0x3FB0] =	sst s8  }
0x11: {  	[smem:$0x3FB1] =	sst s9;
	s0 =	simm.s32 @!p0 $0x0  }
0x12: {  	s1 =	sld [smem:$0x3F97];
	s0 =	simm.s32 @p0 $0x1  }
0x13: {  	[smem:$0x3FB2] =	sst s0;
	s0 =	simm.s32 @!p1 $0x0  }
0x14: {  	s2 =	sld [smem:$0x3F96];
	s0 =	simm.s32 @p1 $0x1  }
0x15: {  	[smem:$0x3FB3] =	sst s0;
	s0 =	simm.s32 @!p2 $0x0  }
0x16: {  	s3 =	sld [smem:$0x3FDB];
	s0 =	simm.s32 @p2 $0x1  }
0x17: {  	s4 =	simm.s32 $0x1BF5;
	[smem:$0x3FB5] =	sst s0  }
0x18: {  	s0 =	sld [smem:$0x3F98];
	_ =	swait.ge [sflag:s4], $0x0  }
0x19: {  	s7 =	sld [smem:$0x3F99]  }
0x1a: {  	s8 =	sadd.s32 $0xFFFFE003, lr  }
0x1b: {  	s9 =	sadd.s32 $0xFFFFFEF7, lr;
	s5 =	simm.s32 $0xFFFFFFFF;
	p2 =	slt.u32 s8, $0xFFFFF086  }
0x1c: {  	p1 =	slt.u32 s9, $0xF7A;
	s5 =	simm.s32 @!p2 $0x0  }
0x1d: {  	s5 =	simm.s32 @p1 $0x1;
	p0 =	seq.s32 s7, s2  }
0x1e: {  	s7 =	smul.u32 @!p0 $0xF7A, s2;
	p2 =	seq.s32 @!p0 s5, $0x0  }
0x1f: {  	s9 =	smul.u32 $0xF7A, s1;
	s8 =	simm.s32 @!p0 $0x1BF5;
	p2 =	por !p2, p0  }
0x20: {  	[sflag:s8] =	ssyncset.s32 @!p0 $0xFFFFF086;
	s6 =	sadd.s32 @!p0 s3, s7;
	s7 =	simm.s32 @!p0 $0x108  }
0x21: {  	s3 =	sadd.s32 s3, s9;
	s6 =	sadd.s32 @!p0 $0x88, s6;
	s7 =	simm.s32 @p2 $0x1082  }
0x22: {  	[simem:s7], [sflag:s8] =	dma.local @!p0 [hbm:s6], $0xF7A  }
0x23: {  	s9 =	sor.u32 $0xD0000000, s2;
	s6 =	simm.s32 $0x108;
	_ =	swait.ge @!p0 [sflag:s8], $0x0  }
0x24: {  	s3 =	sadd.s32 $0x88, s3;
	s6 =	simm.s32 @!p1 $0x1082;
	[sflag:s4] =	ssyncset.s32 $0xFFFFF086  }
0x25: {  	[simem:s6], [sflag:s4] =	dma.local [hbm:s3], $0xF7A  }
0x26: {  	[smem:$0x3F99] =	sst s1;
	(tag) =	ssettag s2;
	_ =	strace s9  }
0x27: {  	s1 =	sld [smem:$0x3FA9]  }
0x28: {  	s2 =	sld [smem:$0x3FAA]  }
0x29: {  	s4 =	sld [smem:$0x3FAC]  }
0x2a: {  	p0 =	seq.s32 s5, $0x0;
	s5 =	sld [smem:$0x3FAD]  }
0x2b: {  	s6 =	sld [smem:$0x3FAE]  }
0x2c: {  	s7 =	sld [smem:$0x3FAF]  }
0x2d: {  	s3 =	simm.s32 $0x108;
	s8 =	sld [smem:$0x3FB0]  }
0x2e: {  	s3 =	simm.s32 @!p0 $0x1082;
	s9 =	sld [smem:$0x3FB1]  }
0x2f: {  	lr =	sadd.s32 s0, s3;
	s0 =	sld [smem:$0x3FA8]  }
0x30: {  	s3 =	sld [smem:$0x3FAB]  }
0x31: {  	[smem:$0x3FB4] =	sst s10  }
0x32: {  	s10 =	sld [smem:$0x3FB2];
	_ =	sdelay $0x3  }
0x33: {  	p0 =	seq.s32 s10, $0x1;
	s10 =	sld [smem:$0x3FB4];
	_ =	sdelay $0x3  }
0x34: {  	[smem:$0x3FB4] =	sst s10  }
0x35: {  	s10 =	sld [smem:$0x3FB3];
	_ =	sdelay $0x3  }
0x36: {  	p1 =	seq.s32 s10, $0x1;
	s10 =	sld [smem:$0x3FB4];
	_ =	sdelay $0x3  }
0x37: {  	[smem:$0x3FB4] =	sst s10  }
0x38: {  	s10 =	sld [smem:$0x3FB5]  }
0x39: {  	_ = 	snop;
	(pc) =	sbr.ind lr, $3  }
0x3a: {  	_ = 	snop  }
0x3b: {  	_ = 	snop  }
0x3c: {  	p2 =	seq.s32 s10, $0x1;
	s10 =	sld [smem:$0x3FB4]  }
0x3d: {  	_ =	shalt  }
0x3e: {  	_ =	shalt  }
0x3f: {  	_ =	shalt  }
0x40: {  	_ =	shalt  }
0x41: {  	_ =	shalt  }
0x42: {  	_ =	shalt  }
0x43: {  	_ =	shalt  }
0x44: {  	_ =	shalt  }
0x45: {  	_ =	shalt  }
0x46: {  	_ =	shalt  }
0x47: {  	_ =	shalt  }
0x48: {  	_ =	shalt  }
0x49: {  	_ =	shalt  }
0x4a: {  	_ =	shalt  }
0x4b: {  	_ =	shalt  }
0x4c: {  	_ =	shalt  }
0x4d: {  	_ =	shalt  }
0x4e: {  	_ =	shalt  }
0x4f: {  	_ =	shalt  }
0x50: {  	_ =	shalt  }
0x51: {  	_ =	shalt  }
0x52: {  	_ =	shalt  }
0x53: {  	_ =	shalt  }
0x54: {  	_ =	shalt  }
0x55: {  	_ =	shalt  }
0x56: {  	_ =	shalt  }
0x57: {  	_ =	shalt  }
0x58: {  	_ =	shalt  }
0x59: {  	_ =	shalt  }
0x5a: {  	_ =	shalt  }
0x5b: {  	_ =	shalt  }
0x5c: {  	_ =	shalt  }
0x5d: {  	_ =	shalt  }
0x5e: {  	_ =	shalt  }
0x5f: {  	_ =	shalt  }
0x60: {  	_ =	shalt  }
0x61: {  	_ =	shalt  }
0x62: {  	_ =	shalt  }
0x63: {  	_ =	shalt  }
0x64: {  	_ =	shalt  }
0x65: {  	_ =	shalt  }
0x66: {  	_ =	shalt  }
0x67: {  	_ =	shalt  }
0x68: {  	_ =	shalt  }
0x69: {  	_ =	shalt  }
0x6a: {  	_ =	shalt  }
0x6b: {  	_ =	shalt  }
0x6c: {  	_ =	shalt  }
0x6d: {  	_ =	shalt  }
0x6e: {  	_ =	shalt  }
0x6f: {  	_ =	shalt  }
0x70: {  	_ =	shalt  }
0x71: {  	_ =	shalt  }
0x72: {  	_ =	shalt  }
0x73: {  	_ =	shalt  }
0x74: {  	_ =	shalt  }
0x75: {  	_ =	shalt  }
0x76: {  	_ =	shalt  }
0x77: {  	_ =	shalt  }
0x78: {  	_ =	shalt  }
0x79: {  	_ =	shalt  }
0x7a: {  	_ =	shalt  }
0x7b: {  	_ =	shalt  }
0x7c: {  	_ =	shalt  }
0x7d: {  	_ =	shalt  }
0x7e: {  	_ =	shalt  }
0x7f: {  	_ =	shalt  }
0x80: {  	_ =	shalt  }
0x81: {  	_ =	shalt  }
0x82: {  	_ =	shalt  }
0x83: {  	_ =	shalt  }
0x84: {  	_ =	shalt  }
0x85: {  	_ =	shalt  }
0x86: {  	_ =	shalt  }
0x87: {  	_ =	shalt  }
.Lfunc_end0:
.L_simem_size_0:
called_computation.2_lowered:
.L_overlay_start_0:
0x88: {  	s2 =	sld [smem:$0x3FD9]  }
0x89: {  	s3 =	sld [smem:$0x3FFE];
	_ =	sdelay $0x1  }
0x8a: {  	s1 =	srdreg.scid  }
0x8b: {  	s0 =	sand.u32 $0x1, s1  }
0x8c: {  	s17 =	sshll.u32 s0, $0xA;
	s2 =	sadd.s32 s3, s2  }
0x8d: {  	s2 =	sadd.s32 s2, s17  }
0x8e: {  	[smem:$0x3FC0] =	sst s2  }
0x8f: {  	_ = 	snop  }
0x90: {  	s2 =	sld [smem:$0x3FD0];
	(tm) =	ssettm $0x1  }
0x91: {  	s18 =	sld [smem:$0x3FFB];
	_ =	sdelay $0x3  }
0x92: {  	_ =	strace s18  }
0x93: {  	s3 =	sld [smem:$0x3FFC];
	_ =	sdelay $0x3  }
0x94: {  	_ =	strace s3  }
0x95: {  	s3 =	sld [smem:$0x3FFD];
	_ =	sdelay $0x3  }
0x96: {  	_ =	strace s3  }
0x97: {  	_ =	strace $0x8FFFFFFF  }
0x98: {  	s19 =	sld [smem:$0x3FDB];
	_ =	sdelay $0x1  }
0x99: {  	s4 =	simm.s32 $_scs_section_size  }
0x9a: {  	s5 =	simm.s32 $_size__tile_overlayer_lowered;
	s6 =	simm.s32 $_tile_overlayer_lowered  }
0x9b: {  	s22 =	simm.s32 $0x1BFF;
	s21 =	sshll.u32 s6, $0x1;
	s3 =	sadd.s32 s4, s19  }
0x9c: {  	s7 =	simm.s32 $0x0;
	s20 =	sshll.u32 s5, $0x1;
	s5 =	sadd.s32 s21, s3  }
0x9d: {  	[timem:s7], [sflag:s22] =	dma.local [hbm:s5], s20  }
0x9e: {  	_ =	swait.ge [sflag:s22], s20  }
0x9f: {  	s4 =	ssub.s32 $0x0, s20;
	[sflag:s22] =	ssyncset.done $0x0  }
0xa0: {  	[sflag:s22] =	ssyncadd.s32 s4;
	_ =	sdelay $0x1  }
0xa1: {  	s23 =	simm.s32 $0x1B8B  }
0xa2: {  	_ =	swait.ge [sflag:s23], $0x1  }
0xa3: {  	[sflag:s23] =	ssyncset.done $0x0  }
0xa4: {  	s25 =	simm.s32 $0x1B8E;
	s24 =	sld [smem:$0x3FFE];
	[sflag:s23] =	ssyncadd.s32 $0xFFFFFFFF  }
0xa5: {  	s26 =	simm.s32 $execute0_lowered;
	[smem:$0x3FD2] =	sst s25  }
0xa6: {  	s5 =	sshll.u32 s26, $0x1;
	_ =	strace $0x8000004C;
	[dreg:$0x1] =	wrdreg $0xFFFFFFFF  }
0xa7: {  	s28 =	simm.s32 $_size_execute0_lowered;
	s3 =	sadd.s32 s3, s5;
	[dreg:$0x0] =	wrdreg $0x0  }
0xa8: {  	s5 =	sshll.u32 s28, $0x1;
	[dreg:$0x2] =	wrdreg s3  }
0xa9: {  	[dreg:$0x3] =	wrdreg s5  }
0xaa: {  	[dreg:$0x4] =	wrdreg $0xC0  }
0xab: {  	_ =	task [dreg:s7], $0x5FFFF  }
0xac: {  	[dreg:$0x1] =	wrdreg $0xFFFFFFFF  }
0xad: {  	[dreg:$0x0] =	wrdreg $0x60  }
0xae: {  	[dreg:$0x2] =	wrdreg s24  }
0xaf: {  	[dreg:$0x3] =	wrdreg s2  }
0xb0: {  	[dreg:$0x4] =	wrdreg $0x58000  }
0xb1: {  	[dreg:$0x5] =	wrdreg $0x9  }
0xb2: {  	_ =	task.clear_ibuf [dreg:s7], $0x6FFFF;
	_ =	strace $0x9000004C  }
0xb3: {  	s29 =	simm.s32 $0x9;
	_ =	strace $0x8000004E  }
0xb4: {  	_ =	swait.ge [sflag:s29], $0x1  }
0xb5: {  	[sflag:s29] =	ssyncadd.s32 $0xFFFFFFFF  }
0xb6: {  	_ =	strace $0x9000004E  }
0xb7: {  	_ =	sfence  }
0xb8: {  	s30 =	sld [smem:$0x0];
	_ =	sdelay $0x2  }
0xb9: {  	s31 =	sshll.u32 s1, $0xD;
	s1 =	sshrl.u32 s1, $0x2  }
0xba: {  	s3 =	sand.u32 $0x4000, s31;
	s1 =	sadd.s32 s1, s30  }
0xbb: {  	s0 =	sor.u32 s3, s0;
	s1 =	sshll.u32 s1, $0x11  }
0xbc: {  	s0 =	sor.u32 s1, s0  }
0xbd: {  	s0 =	sadd.s32 $0x8F2B, s0  }
0xbe: {  	[sflag:s0] =	ssyncadd.remote.s32 $0x1  }
0xbf: {  	_ =	sfence.sel $0xFFFF  }
0xc0: {  	[dreg:$0x0] =	wrdreg $0xFFFFFFFF;
	(pc) =	sbr.abs _section_cstart, $3  }
0xc1: {  	[dreg:$0x1] =	wrdreg $0xFFFFFFFF  }
0xc2: {  	_ =	task.clear_ibuf [dreg:s7], $0x2FFFF;
	_ =	strace $0x9FFFFFFF  }
0xc3: {  	(tm) =	ssettm $0x7FFFFFFF  }
tec
execute0_lowered:
.L_overlay_start_1:
0x0: {  	(tag) =	ssettag $0x1  }
0x1: {  	s5 =	rddreg [dreg:$0x0]  }
0x2: {  	s8 =	rddreg [dreg:$0x1]  }
0x3: {  	s1 =	rddreg [dreg:$0x2]  }
0x4: {  	s0 =	simm.s32 $0x0;
	s2 =	srdreg.scid;
	s26 =	stileid.u32  }
0x5: {  	s16 =	simm.s32 $0x2800;
	s17 =	simm.s32 $0x3;
	s18 =	simm.s32 $0x1400  }
0x6: {  	s19 =	simm.s32 $0x80;
	s20 =	simm.s32 $0x4000;
	s21 =	simm.s32 $0x1  }
0x7: {  	s22 =	simm.s32 $0x2;
	s23 =	simm.s32 $0x1380;
	s24 =	simm.s32 $0x2700  }
0x8: {  	s25 =	simm.s32 $0x2780;
	[smem:$0x7FF] =	sst s0;
	s9 =	smul.u32 $0xF00, s26  }
0x9: {  	s6 =	sand.u32 $0x1, s2;
	s4 =	sadd.s32 $0x2800, s5;
	s31 =	smul.u32 $0x1E000, s26  }
0xa: {  	s11 =	sadd.s32 $0x16800, s5;
	s7 =	smul.u32 $0xF000, s6;
	s10 =	sshll.u32 s6, $0x4  }
0xb: {  	_ =	strace $0x8000004D;
	s6 =	ssub.s32 $0x2, s6;
	s10 =	sor.u32 s26, s10  }
0xc: {  	s29 =	sshrl.u32 s6, $0x1;
	s26 =	simm.s32 $0x0;
	s28 =	smul.u32 $0x2800, s10  }
0xd: {  	s7 =	sadd.s32 s9, s7;
	s30 =	smul.u32 $0x500, s10;
	s10 =	sshrl.u32 s31, $0x2  }
0xe: {  	s13 =	ssub.s32 s6, s29;
	s12 =	sadd.s32 s7, s5;
	s10 =	sadd.s32 s10, s1  }
0xf: {  	s9 =	sshrl.u32 s28, $0x3;
	s5 =	sadd.s32 s11, s30;
	s6 =	sadd.s32 s8, s30  }
0x10: {  	s14 =	sadd.s32 $0x4800, s10;
	s15 =	sadd.s32 $0x6000, s10;
	s9 =	sadd.s32 $0x280, s9  }
0x11: {  	s7 =	sadd.s32 s11, s9;
	s8 =	sadd.s32 s8, s9;
	s9 =	sadd.s32 $0x70800, s12  }
0x12: {  	v0 =	vimm.f32 $0.0e+00;
	s11 =	smax.u32 s13, $0x1;
	s12 =	sadd.s32 $0x1800, s10;
	s13 =	sadd.s32 $0x3000, s10  }
.LBB2_1:
0x13: {  	s0 =	simm.s32 $0x0  }
0x14: {  	s28 =	smul.u32 $0xAAAB, s0;
	_ =	sdelay $0x1  }
0x15: {  	s29 =	sshrl.u32 s28, $0x11  }
0x16: {  	s30 =	simm.s32 $0x0;
	s28 =	simm.s32 $0x1;
	s31 =	smul.u32 $0x3, s29  }
.LBB2_2:
0x17: {  	s0 =	smul.u32 $0xAAAB, s28  }
0x18: {  	s3 =	smov.u32 s28;
	s29 =	smul.u32 $0xC0, s29;
	p0 =	sne.s32 s28, $0x17F  }
.Ltmp0:
0x19: {  	s30 =	ssub.s32 s30, s31;
	(pc) =	sbr.rel @p0 .LBB2_2-.Ltmp0, $4  }
0x1a: {  	s28 =	sadd.s32 $0x1, s28;
	s30 =	sand.u32 $0xFFFF, s30  }
0x1b: {  	s31 =	sshrl.u32 s29, $0x2;
	s2 =	sshll.u32 s30, $0x4;
	s30 =	smov.u32 s3  }
0x1c: {  	s29 =	sshrl.u32 s0, $0x11;
	s0 =	sadd.s32 s2, s31  }
0x1d: {  	s31 =	smul.u32 $0x3, s29;
	[tilespmem:s0+$0x2800] =	vst v0  }
0x1e: {  	_ = 	snop  }
0x1f: {  	s2 =	smul.u32 $0xC0, s29;
	s0 =	ssub.s32 s30, s31  }
0x20: {  	s0 =	sand.u32 $0xFFFF, s0  }
0x21: {  	s2 =	sshrl.u32 s2, $0x2;
	s0 =	sshll.u32 s0, $0x4  }
0x22: {  	s0 =	sadd.s32 s0, s2  }
0x23: {  	[tilespmem:s0+$0x2800] =	vst v0  }
0x24: {  	[spmem:s10] =	stream.linear.scatter [tilespmem:s16], [sflag:$0x3], $0x1800, $0x38;
	[tilespmem:$0xD000] =	vst v63  }
0x25: {  	_ =	swait.ge [sflag:s17], $0x1800  }
0x26: {  	[sflag:s17] =	ssyncset.done $0x0  }
0x27: {  	[sflag:s17] =	ssyncadd.s32 $0xFFFFE800  }
0x28: {  	[spmem:s12] =	stream.linear.scatter [tilespmem:s16], [sflag:$0x3], $0x1800, $0x38;
	[tilespmem:$0xD000] =	vst v63  }
0x29: {  	_ =	swait.ge [sflag:s17], $0x1800  }
0x2a: {  	[sflag:s17] =	ssyncset.done $0x0  }
0x2b: {  	[sflag:s17] =	ssyncadd.s32 $0xFFFFE800  }
0x2c: {  	[spmem:s13] =	stream.linear.scatter [tilespmem:s16], [sflag:$0x3], $0x1800, $0x38;
	[tilespmem:$0xD000] =	vst v63  }
0x2d: {  	_ =	swait.ge [sflag:s17], $0x1800  }
0x2e: {  	[sflag:s17] =	ssyncset.done $0x0  }
0x2f: {  	[sflag:s17] =	ssyncadd.s32 $0xFFFFE800  }
0x30: {  	[spmem:s14] =	stream.linear.scatter [tilespmem:s16], [sflag:$0x3], $0x1800, $0x38;
	[tilespmem:$0xD000] =	vst v63  }
0x31: {  	_ =	swait.ge [sflag:s17], $0x1800  }
0x32: {  	[sflag:s17] =	ssyncset.done $0x0  }
0x33: {  	[sflag:s17] =	ssyncadd.s32 $0xFFFFE800  }
0x34: {  	[spmem:s15] =	stream.linear.scatter [tilespmem:s16], [sflag:$0x3], $0x1800, $0x38;
	[tilespmem:$0xD000] =	vst v63  }
0x35: {  	_ =	swait.ge [sflag:s17], $0x1800  }
0x36: {  	[sflag:s17] =	ssyncset.done $0x0  }
0x37: {  	[sflag:s17] =	ssyncadd.s32 $0xFFFFE800  }
0x38: {  	s31 =	simm.s32 $0x0;
	[bflag:$0x0] =	sbarrier.arrive $0xFFFF  }
0x39: {  	[tilespmem:s31], [sflag:$0x3] =	stream.linear.gather [hbm4b:s5+s31], $0x1400, $0x38;
	[tilespmem:$0xD000] =	vst v63  }
0x3a: {  	_ =	swait.ge [sflag:s17], $0x1400  }
0x3b: {  	[sflag:s17] =	ssyncset.done $0x0  }
0x3c: {  	[sflag:s17] =	ssyncadd.s32 $0xFFFFEC00  }
0x3d: {  	[tilespmem:s18], [sflag:$0x3] =	stream.linear.gather [hbm4b:s6+s31], $0x1400, $0x38;
	[tilespmem:$0xD000] =	vst v63  }
0x3e: {  	_ =	swait.ge [sflag:s17], $0x1400  }
0x3f: {  	[sflag:s17] =	ssyncset.done $0x0  }
0x40: {  	[sflag:s17] =	ssyncadd.s32 $0xFFFFEC00  }
0x41: {  	[tilespmem:s16], [sflag:$0x1] =	stream.indirect.gather [hbm4b:s4+s19], $0x30, s31, s19, $0xb8;
	[tilespmem:$0xD000] =	vst v63  }
0x42: {  	s2 =	simm.s32 $0x80  }
0x43: {  	[tilespmem:s20], [sflag:$0x2] =	stream.indirect.gather [hbm4b:s4+s19], $0x30, s2, s19, $0xb8;
	[tilespmem:$0xD000] =	vst v63  }
0x44: {  	_ =	swait.ge [sflag:s21], $0x1800  }
0x45: {  	[sflag:s21] =	ssyncset.done $0x0  }
0x46: {  	s3 =	simm.s32 $0x1400;
	[sflag:s21] =	ssyncadd.s32 $0xFFFFE800  }
0x47: {  	[spmem:s1] =	stream.indirect.scatter.add.f32 [tilespmem:s16], [sflag:$0x3], $0x30, s3, s19, $0xb8;
	[tilespmem:$0xD000] =	vst v63  }
0x48: {  	_ =	swait.ge [sflag:s17], $0x1800  }
0x49: {  	[sflag:s17] =	ssyncset.done $0x0  }
0x4a: {  	s30 =	simm.s32 $0x100;
	[sflag:s17] =	ssyncadd.s32 $0xFFFFE800  }
0x4b: {  	[tilespmem:s16], [sflag:$0x1] =	stream.indirect.gather [hbm4b:s4+s19], $0x30, s30, s19, $0xb8;
	[tilespmem:$0xD000] =	vst v63  }
0x4c: {  	_ =	swait.ge [sflag:s22], $0x1800  }
0x4d: {  	[sflag:s22] =	ssyncset.done $0x0  }
0x4e: {  	s31 =	simm.s32 $0x1480;
	[sflag:s22] =	ssyncadd.s32 $0xFFFFE800  }
0x4f: {  	[spmem:s1] =	stream.indirect.scatter.add.f32 [tilespmem:s20], [sflag:$0x3], $0x30, s31, s19, $0xb8;
	[tilespmem:$0xD000] =	vst v63  }
0x50: {  	_ =	swait.ge [sflag:s17], $0x1800  }
0x51: {  	s29 =	simm.s32 $0x800;
	s28 =	simm.s32 $0x100;
	[sflag:s17] =	ssyncset.done $0x0  }
.LBB2_4:
0x52: {  	s0 =	sadd.s32 $0x80, s28  }
0x53: {  	[sflag:s17] =	ssyncadd.s32 $0xFFFFE800;
	s2 =	smov.u32 s29;
	s3 =	sadd.s32 $0x400, s29  }
0x54: {  	[tilespmem:s20], [sflag:$0x2] =	stream.indirect.gather [hbm4b:s4+s19], $0x30, s0, s19, $0xb8;
	[tilespmem:$0xD000] =	vst v63  }
0x55: {  	p0 =	sne.s32 s29, $0x4800;
	_ =	swait.ge [sflag:s21], $0x1800  }
0x56: {  	[sflag:s21] =	ssyncset.done $0x0  }
0x57: {  	s0 =	sadd.s32 $0x1400, s28;
	[sflag:s21] =	ssyncadd.s32 $0xFFFFE800  }
0x58: {  	[spmem:s1] =	stream.indirect.scatter.add.f32 [tilespmem:s16], [sflag:$0x3], $0x30, s0, s19, $0xb8;
	[tilespmem:$0xD000] =	vst v63  }
0x59: {  	_ =	swait.ge [sflag:s17], $0x1800  }
0x5a: {  	[sflag:s17] =	ssyncset.done $0x0  }
0x5b: {  	s0 =	sadd.s32 $0x100, s28;
	[sflag:s17] =	ssyncadd.s32 $0xFFFFE800  }
0x5c: {  	[tilespmem:s16], [sflag:$0x1] =	stream.indirect.gather [hbm4b:s4+s19], $0x30, s0, s19, $0xb8;
	[tilespmem:$0xD000] =	vst v63  }
0x5d: {  	_ =	swait.ge [sflag:s22], $0x1800  }
.Ltmp1:
0x5e: {  	[sflag:s22] =	ssyncset.done $0x0;
	(pc) =	sbr.rel @p0 .LBB2_4-.Ltmp1, $4  }
0x5f: {  	s0 =	sadd.s32 $0x1480, s28;
	[sflag:s22] =	ssyncadd.s32 $0xFFFFE800  }
0x60: {  	[spmem:s1] =	stream.indirect.scatter.add.f32 [tilespmem:s20], [sflag:$0x3], $0x30, s0, s19, $0xb8;
	[tilespmem:$0xD000] =	vst v63  }
0x61: {  	_ =	swait.ge [sflag:s17], $0x1800  }
0x62: {  	s29 =	smov.u32 s3;
	s28 =	sshra.s32 s2, $0x2;
	[sflag:s17] =	ssyncset.done $0x0  }
0x63: {  	s0 =	sadd.s32 $0x80, s28;
	[sflag:s17] =	ssyncadd.s32 $0xFFFFE800  }
0x64: {  	[tilespmem:s20], [sflag:$0x2] =	stream.indirect.gather [hbm4b:s4+s19], $0x30, s0, s19, $0xb8;
	[tilespmem:$0xD000] =	vst v63  }
0x65: {  	_ =	swait.ge [sflag:s21], $0x1800  }
0x66: {  	[sflag:s21] =	ssyncset.done $0x0  }
0x67: {  	s2 =	sadd.s32 $0x1400, s28;
	[sflag:s21] =	ssyncadd.s32 $0xFFFFE800  }
0x68: {  	[spmem:s1] =	stream.indirect.scatter.add.f32 [tilespmem:s16], [sflag:$0x3], $0x30, s2, s19, $0xb8;
	[tilespmem:$0xD000] =	vst v63  }
0x69: {  	_ =	swait.ge [sflag:s17], $0x1800  }
0x6a: {  	[sflag:s17] =	ssyncset.done $0x0  }
0x6b: {  	s3 =	sadd.s32 $0x100, s28;
	[sflag:s17] =	ssyncadd.s32 $0xFFFFE800  }
0x6c: {  	[tilespmem:s16], [sflag:$0x1] =	stream.indirect.gather [hbm4b:s4+s19], $0x30, s3, s19, $0xb8;
	[tilespmem:$0xD000] =	vst v63  }
0x6d: {  	_ =	swait.ge [sflag:s22], $0x1800  }
0x6e: {  	[sflag:s22] =	ssyncset.done $0x0  }
0x6f: {  	s30 =	sadd.s32 $0x1480, s28;
	[sflag:s22] =	ssyncadd.s32 $0xFFFFE800  }
0x70: {  	[spmem:s1] =	stream.indirect.scatter.add.f32 [tilespmem:s20], [sflag:$0x3], $0x30, s30, s19, $0xb8;
	[tilespmem:$0xD000] =	vst v63  }
0x71: {  	_ =	swait.ge [sflag:s17], $0x1800  }
0x72: {  	[sflag:s17] =	ssyncset.done $0x0  }
0x73: {  	[sflag:s17] =	ssyncadd.s32 $0xFFFFE800  }
0x74: {  	[tilespmem:s20], [sflag:$0x2] =	stream.indirect.gather [hbm4b:s4+s19], $0x30, s23, s19, $0xb8;
	[tilespmem:$0xD000] =	vst v63  }
0x75: {  	_ =	swait.ge [sflag:s21], $0x1800  }
0x76: {  	[sflag:s21] =	ssyncset.done $0x0  }
0x77: {  	[sflag:s21] =	ssyncadd.s32 $0xFFFFE800  }
0x78: {  	[spmem:s1] =	stream.indirect.scatter.add.f32 [tilespmem:s16], [sflag:$0x3], $0x30, s24, s19, $0xb8;
	[tilespmem:$0xD000] =	vst v63  }
0x79: {  	_ =	swait.ge [sflag:s17], $0x1800  }
0x7a: {  	[sflag:s17] =	ssyncset.done $0x0  }
0x7b: {  	[sflag:s17] =	ssyncadd.s32 $0xFFFFE800  }
0x7c: {  	_ =	swait.ge [sflag:s22], $0x1800  }
0x7d: {  	[sflag:s22] =	ssyncset.done $0x0  }
0x7e: {  	[sflag:s22] =	ssyncadd.s32 $0xFFFFE800  }
0x7f: {  	[spmem:s1] =	stream.indirect.scatter.add.f32 [tilespmem:s20], [sflag:$0x3], $0x30, s25, s19, $0xb8;
	[tilespmem:$0xD000] =	vst v63  }
0x80: {  	_ =	swait.ge [sflag:s17], $0x1800  }
0x81: {  	[sflag:s17] =	ssyncset.done $0x0  }
0x82: {  	s31 =	simm.s32 $0x0;
	[sflag:s17] =	ssyncadd.s32 $0xFFFFE800  }
0x83: {  	[tilespmem:s31], [sflag:$0x3] =	stream.linear.gather [hbm4b:s7+s31], $0x1400, $0x38;
	[tilespmem:$0xD000] =	vst v63  }
0x84: {  	_ =	swait.ge [sflag:s17], $0x1400  }
0x85: {  	[sflag:s17] =	ssyncset.done $0x0  }
0x86: {  	[sflag:s17] =	ssyncadd.s32 $0xFFFFEC00  }
0x87: {  	[tilespmem:s18], [sflag:$0x3] =	stream.linear.gather [hbm4b:s8+s31], $0x1400, $0x38;
	[tilespmem:$0xD000] =	vst v63  }
0x88: {  	_ =	swait.ge [sflag:s17], $0x1400  }
0x89: {  	[sflag:s17] =	ssyncset.done $0x0  }
0x8a: {  	[sflag:s17] =	ssyncadd.s32 $0xFFFFEC00  }
0x8b: {  	[tilespmem:s16], [sflag:$0x1] =	stream.indirect.gather [hbm4b:s4+s19], $0x30, s31, s19, $0xb8;
	[tilespmem:$0xD000] =	vst v63  }
0x8c: {  	s2 =	simm.s32 $0x80  }
0x8d: {  	[tilespmem:s20], [sflag:$0x2] =	stream.indirect.gather [hbm4b:s4+s19], $0x30, s2, s19, $0xb8;
	[tilespmem:$0xD000] =	vst v63  }
0x8e: {  	_ =	swait.ge [sflag:s21], $0x1800  }
0x8f: {  	[sflag:s21] =	ssyncset.done $0x0  }
0x90: {  	s3 =	simm.s32 $0x1400;
	[sflag:s21] =	ssyncadd.s32 $0xFFFFE800  }
0x91: {  	[spmem:s1] =	stream.indirect.scatter.add.f32 [tilespmem:s16], [sflag:$0x3], $0x30, s3, s19, $0xb8;
	[tilespmem:$0xD000] =	vst v63  }
0x92: {  	_ =	swait.ge [sflag:s17], $0x1800  }
0x93: {  	[sflag:s17] =	ssyncset.done $0x0  }
0x94: {  	s30 =	simm.s32 $0x100;
	[sflag:s17] =	ssyncadd.s32 $0xFFFFE800  }
0x95: {  	[tilespmem:s16], [sflag:$0x1] =	stream.indirect.gather [hbm4b:s4+s19], $0x30, s30, s19, $0xb8;
	[tilespmem:$0xD000] =	vst v63  }
0x96: {  	_ =	swait.ge [sflag:s22], $0x1800  }
0x97: {  	[sflag:s22] =	ssyncset.done $0x0  }
0x98: {  	s31 =	simm.s32 $0x1480;
	[sflag:s22] =	ssyncadd.s32 $0xFFFFE800  }
0x99: {  	[spmem:s1] =	stream.indirect.scatter.add.f32 [tilespmem:s20], [sflag:$0x3], $0x30, s31, s19, $0xb8;
	[tilespmem:$0xD000] =	vst v63  }
0x9a: {  	_ =	swait.ge [sflag:s17], $0x1800  }
0x9b: {  	s29 =	simm.s32 $0x800;
	s28 =	simm.s32 $0x100;
	[sflag:s17] =	ssyncset.done $0x0  }
.LBB2_6:
0x9c: {  	s0 =	sadd.s32 $0x80, s28  }
0x9d: {  	[sflag:s17] =	ssyncadd.s32 $0xFFFFE800;
	s2 =	smov.u32 s29;
	s3 =	sadd.s32 $0x400, s29  }
0x9e: {  	[tilespmem:s20], [sflag:$0x2] =	stream.indirect.gather [hbm4b:s4+s19], $0x30, s0, s19, $0xb8;
	[tilespmem:$0xD000] =	vst v63  }
0x9f: {  	p0 =	sne.s32 s29, $0x4800;
	_ =	swait.ge [sflag:s21], $0x1800  }
0xa0: {  	[sflag:s21] =	ssyncset.done $0x0  }
0xa1: {  	s0 =	sadd.s32 $0x1400, s28;
	[sflag:s21] =	ssyncadd.s32 $0xFFFFE800  }
0xa2: {  	[spmem:s1] =	stream.indirect.scatter.add.f32 [tilespmem:s16], [sflag:$0x3], $0x30, s0, s19, $0xb8;
	[tilespmem:$0xD000] =	vst v63  }
0xa3: {  	_ =	swait.ge [sflag:s17], $0x1800  }
0xa4: {  	[sflag:s17] =	ssyncset.done $0x0  }
0xa5: {  	s0 =	sadd.s32 $0x100, s28;
	[sflag:s17] =	ssyncadd.s32 $0xFFFFE800  }
0xa6: {  	[tilespmem:s16], [sflag:$0x1] =	stream.indirect.gather [hbm4b:s4+s19], $0x30, s0, s19, $0xb8;
	[tilespmem:$0xD000] =	vst v63  }
0xa7: {  	_ =	swait.ge [sflag:s22], $0x1800  }
.Ltmp2:
0xa8: {  	[sflag:s22] =	ssyncset.done $0x0;
	(pc) =	sbr.rel @p0 .LBB2_6-.Ltmp2, $4  }
0xa9: {  	s0 =	sadd.s32 $0x1480, s28;
	[sflag:s22] =	ssyncadd.s32 $0xFFFFE800  }
0xaa: {  	[spmem:s1] =	stream.indirect.scatter.add.f32 [tilespmem:s20], [sflag:$0x3], $0x30, s0, s19, $0xb8;
	[tilespmem:$0xD000] =	vst v63  }
0xab: {  	_ =	swait.ge [sflag:s17], $0x1800  }
0xac: {  	s29 =	smov.u32 s3;
	s28 =	sshra.s32 s2, $0x2;
	[sflag:s17] =	ssyncset.done $0x0  }
0xad: {  	s0 =	sadd.s32 $0x80, s28;
	[sflag:s17] =	ssyncadd.s32 $0xFFFFE800  }
0xae: {  	[tilespmem:s20], [sflag:$0x2] =	stream.indirect.gather [hbm4b:s4+s19], $0x30, s0, s19, $0xb8;
	[tilespmem:$0xD000] =	vst v63  }
0xaf: {  	_ =	swait.ge [sflag:s21], $0x1800  }
0xb0: {  	[sflag:s21] =	ssyncset.done $0x0  }
0xb1: {  	s3 =	sadd.s32 $0x1400, s28;
	[sflag:s21] =	ssyncadd.s32 $0xFFFFE800  }
0xb2: {  	[spmem:s1] =	stream.indirect.scatter.add.f32 [tilespmem:s16], [sflag:$0x3], $0x30, s3, s19, $0xb8;
	[tilespmem:$0xD000] =	vst v63  }
0xb3: {  	_ =	swait.ge [sflag:s17], $0x1800  }
0xb4: {  	[sflag:s17] =	ssyncset.done $0x0  }
0xb5: {  	s29 =	sadd.s32 $0x100, s28;
	[sflag:s17] =	ssyncadd.s32 $0xFFFFE800  }
0xb6: {  	[tilespmem:s16], [sflag:$0x1] =	stream.indirect.gather [hbm4b:s4+s19], $0x30, s29, s19, $0xb8;
	[tilespmem:$0xD000] =	vst v63  }
0xb7: {  	_ =	swait.ge [sflag:s22], $0x1800  }
0xb8: {  	[sflag:s22] =	ssyncset.done $0x0  }
0xb9: {  	s30 =	sadd.s32 $0x1480, s28;
	[sflag:s22] =	ssyncadd.s32 $0xFFFFE800  }
0xba: {  	[spmem:s1] =	stream.indirect.scatter.add.f32 [tilespmem:s20], [sflag:$0x3], $0x30, s30, s19, $0xb8;
	[tilespmem:$0xD000] =	vst v63  }
0xbb: {  	_ =	swait.ge [sflag:s17], $0x1800  }
0xbc: {  	[sflag:s17] =	ssyncset.done $0x0  }
0xbd: {  	[sflag:s17] =	ssyncadd.s32 $0xFFFFE800  }
0xbe: {  	[tilespmem:s20], [sflag:$0x2] =	stream.indirect.gather [hbm4b:s4+s19], $0x30, s23, s19, $0xb8;
	[tilespmem:$0xD000] =	vst v63  }
0xbf: {  	_ =	swait.ge [sflag:s21], $0x1800  }
0xc0: {  	[sflag:s21] =	ssyncset.done $0x0  }
0xc1: {  	[sflag:s21] =	ssyncadd.s32 $0xFFFFE800  }
0xc2: {  	[spmem:s1] =	stream.indirect.scatter.add.f32 [tilespmem:s16], [sflag:$0x3], $0x30, s24, s19, $0xb8;
	[tilespmem:$0xD000] =	vst v63  }
0xc3: {  	_ =	swait.ge [sflag:s17], $0x1800  }
0xc4: {  	[sflag:s17] =	ssyncset.done $0x0  }
0xc5: {  	[sflag:s17] =	ssyncadd.s32 $0xFFFFE800  }
0xc6: {  	_ =	swait.ge [sflag:s22], $0x1800  }
0xc7: {  	[sflag:s22] =	ssyncset.done $0x0  }
0xc8: {  	[sflag:s22] =	ssyncadd.s32 $0xFFFFE800  }
0xc9: {  	[spmem:s1] =	stream.indirect.scatter.add.f32 [tilespmem:s20], [sflag:$0x3], $0x30, s25, s19, $0xb8;
	[tilespmem:$0xD000] =	vst v63  }
0xca: {  	s31 =	stileid.u32;
	_ =	swait.ge [sflag:s17], $0x1800  }
0xcb: {  	s2 =	sshrl.u32 s10, $0x3;
	s26 =	sadd.s32 $0x1, s26;
	[sflag:s17] =	ssyncset.done $0x0  }
0xcc: {  	s0 =	sshll.u32 s31, $0x6;
	p0 =	sne.s32 s26, s11;
	[sflag:s17] =	ssyncadd.s32 $0xFFFFE800  }
.Ltmp3:
0xcd: {  	s0 =	sor.u32 $0x1C03, s0;
	[bflag:$0x0] =	sbarrier.arrive $0xFFFF;
	(pc) =	sbr.rel @p0 .LBB2_1-.Ltmp3, $4  }
0xce: {  	[hbm:s9], [sflag:s0] =	dma.local [spmem:s2], $0xF00  }
0xcf: {  	_ =	swait.ge [sflag:s17], $0xF00  }
0xd0: {  	[sflag:s17] =	ssyncset.done $0x0  }
0xd1: {  	[sflag:s17] =	ssyncadd.s32 $0xFFFFF100  }
0xd2: {  	_ =	sfence.sel $0x180000  }
0xd3: {  	[bflag:$0x0] =	sbarrier.arrive $0xFFFF  }
0xd4: {  	_ =	strace $0x9000004D  }
0xd5: {  	s0 =	stileid.u32;
	[bflag:$0x2] =	sbarrier.arrive $0xFFFF  }
0xd6: {  	p0 =	sne.s32 s0, $0x0;
	s0 =	rddreg [dreg:$0x3]  }
0xd7: {  	s0 =	sadd.s32 @!p0 $0x100000, s0  }
0xd8: {  	[sflag:s0] =	ssyncadd.tile.s32 @!p0 $0x1;
	_ =	shalt  }
.Lfunc_end2:
_tile_overlayer_lowered:
.L_overlay_start_2:
0xd9: {  	(tag) =	ssettag $0x2  }
0xda: {  	s0 =	rddreg [dreg:$0x0];
	s2 =	stileid.u32  }
0xdb: {  	s1 =	rddreg [dreg:$0x1];
	p0 =	sne.s32 s2, $0x0  }
0xdc: {  	s3 =	rddreg [dreg:$0x2];
	[bflag:$0x3] =	sbarrier.arrive $0xFFFF;
	s2 =	simm.s32 @!p0 $0x1C03  }
0xdd: {  	[timem:s3], [sflag:s2] =	dma.local @!p0 [hbm:s0], s1  }
0xde: {  	s0 =	simm.s32 @!p0 $0x3  }
0xdf: {  	_ =	swait.ge @!p0 [sflag:s0], s1  }
0xe0: {  	s1 =	ssub.s32 @!p0 $0x0, s1;
	[sflag:s0] =	ssyncset.done @!p0 $0x0  }
0xe1: {  	[sflag:s0] =	ssyncadd.s32 @!p0 s1  }
0xe2: {  	[bflag:$0x3] =	sbarrier.arrive $0xFFFF  }
0xe3: {  	_ =	shalt  }

// kernel: kernel.8.cloned.1.call-start
scs
__scs_entry_jumppad:
0x0: {  	(pc) =	sbr.rel $0x88, $3  }
0x1: {  	(tag) =	ssettag $0x0;
	lr =	simm.s32 $0x1  }
0x2: {  	[smem:$0x3F99] =	sst lr;
	_ =	strace $0xD0000000  }
0x3: {  	_ = 	snop  }
0x4: {  	_ = 	snop  }
0x5: {  	_ = 	snop  }
0x6: {  	_ = 	snop  }
0x7: {  	_ = 	snop  }
__scs_overlays_trampoline_lowered:
0x8: {  	[smem:$0x3FA8] =	sst s0  }
0x9: {  	[smem:$0x3FA9] =	sst s1  }
0xa: {  	[smem:$0x3FAA] =	sst s2  }
0xb: {  	[smem:$0x3FAB] =	sst s3  }
0xc: {  	[smem:$0x3FAC] =	sst s4  }
0xd: {  	[smem:$0x3FAD] =	sst s5  }
0xe: {  	[smem:$0x3FAE] =	sst s6  }
0xf: {  	[smem:$0x3FAF] =	sst s7  }
0x10: {  	[smem:$0x3FB0] =	sst s8  }
0x11: {  	[smem:$0x3FB1] =	sst s9;
	s0 =	simm.s32 @!p0 $0x0  }
0x12: {  	s1 =	sld [smem:$0x3F97];
	s0 =	simm.s32 @p0 $0x1  }
0x13: {  	[smem:$0x3FB2] =	sst s0;
	s0 =	simm.s32 @!p1 $0x0  }
0x14: {  	s2 =	sld [smem:$0x3F96];
	s0 =	simm.s32 @p1 $0x1  }
0x15: {  	[smem:$0x3FB3] =	sst s0;
	s0 =	simm.s32 @!p2 $0x0  }
0x16: {  	s3 =	sld [smem:$0x3FDB];
	s0 =	simm.s32 @p2 $0x1  }
0x17: {  	s4 =	simm.s32 $0x1BF5;
	[smem:$0x3FB5] =	sst s0  }
0x18: {  	s0 =	sld [smem:$0x3F98];
	_ =	swait.ge [sflag:s4], $0x0  }
0x19: {  	s7 =	sld [smem:$0x3F99]  }
0x1a: {  	s8 =	sadd.s32 $0xFFFFE003, lr  }
0x1b: {  	s9 =	sadd.s32 $0xFFFFFEF7, lr;
	s5 =	simm.s32 $0xFFFFFFFF;
	p2 =	slt.u32 s8, $0xFFFFF086  }
0x1c: {  	p1 =	slt.u32 s9, $0xF7A;
	s5 =	simm.s32 @!p2 $0x0  }
0x1d: {  	s5 =	simm.s32 @p1 $0x1;
	p0 =	seq.s32 s7, s2  }
0x1e: {  	s7 =	smul.u32 @!p0 $0xF7A, s2;
	p2 =	seq.s32 @!p0 s5, $0x0  }
0x1f: {  	s9 =	smul.u32 $0xF7A, s1;
	s8 =	simm.s32 @!p0 $0x1BF5;
	p2 =	por !p2, p0  }
0x20: {  	[sflag:s8] =	ssyncset.s32 @!p0 $0xFFFFF086;
	s6 =	sadd.s32 @!p0 s3, s7;
	s7 =	simm.s32 @!p0 $0x108  }
0x21: {  	s3 =	sadd.s32 s3, s9;
	s6 =	sadd.s32 @!p0 $0x88, s6;
	s7 =	simm.s32 @p2 $0x1082  }
0x22: {  	[simem:s7], [sflag:s8] =	dma.local @!p0 [hbm:s6], $0xF7A  }
0x23: {  	s9 =	sor.u32 $0xD0000000, s2;
	s6 =	simm.s32 $0x108;
	_ =	swait.ge @!p0 [sflag:s8], $0x0  }
0x24: {  	s3 =	sadd.s32 $0x88, s3;
	s6 =	simm.s32 @!p1 $0x1082;
	[sflag:s4] =	ssyncset.s32 $0xFFFFF086  }
0x25: {  	[simem:s6], [sflag:s4] =	dma.local [hbm:s3], $0xF7A  }
0x26: {  	[smem:$0x3F99] =	sst s1;
	(tag) =	ssettag s2;
	_ =	strace s9  }
0x27: {  	s1 =	sld [smem:$0x3FA9]  }
0x28: {  	s2 =	sld [smem:$0x3FAA]  }
0x29: {  	s4 =	sld [smem:$0x3FAC]  }
0x2a: {  	p0 =	seq.s32 s5, $0x0;
	s5 =	sld [smem:$0x3FAD]  }
0x2b: {  	s6 =	sld [smem:$0x3FAE]  }
0x2c: {  	s7 =	sld [smem:$0x3FAF]  }
0x2d: {  	s3 =	simm.s32 $0x108;
	s8 =	sld [smem:$0x3FB0]  }
0x2e: {  	s3 =	simm.s32 @!p0 $0x1082;
	s9 =	sld [smem:$0x3FB1]  }
0x2f: {  	lr =	sadd.s32 s0, s3;
	s0 =	sld [smem:$0x3FA8]  }
0x30: {  	s3 =	sld [smem:$0x3FAB]  }
0x31: {  	[smem:$0x3FB4] =	sst s10  }
0x32: {  	s10 =	sld [smem:$0x3FB2];
	_ =	sdelay $0x3  }
0x33: {  	p0 =	seq.s32 s10, $0x1;
	s10 =	sld [smem:$0x3FB4];
	_ =	sdelay $0x3  }
0x34: {  	[smem:$0x3FB4] =	sst s10  }
0x35: {  	s10 =	sld [smem:$0x3FB3];
	_ =	sdelay $0x3  }
0x36: {  	p1 =	seq.s32 s10, $0x1;
	s10 =	sld [smem:$0x3FB4];
	_ =	sdelay $0x3  }
0x37: {  	[smem:$0x3FB4] =	sst s10  }
0x38: {  	s10 =	sld [smem:$0x3FB5]  }
0x39: {  	_ = 	snop;
	(pc) =	sbr.ind lr, $3  }
0x3a: {  	_ = 	snop  }
0x3b: {  	_ = 	snop  }
0x3c: {  	p2 =	seq.s32 s10, $0x1;
	s10 =	sld [smem:$0x3FB4]  }
0x3d: {  	_ =	shalt  }
0x3e: {  	_ =	shalt  }
0x3f: {  	_ =	shalt  }
0x40: {  	_ =	shalt  }
0x41: {  	_ =	shalt  }
0x42: {  	_ =	shalt  }
0x43: {  	_ =	shalt  }
0x44: {  	_ =	shalt  }
0x45: {  	_ =	shalt  }
0x46: {  	_ =	shalt  }
0x47: {  	_ =	shalt  }
0x48: {  	_ =	shalt  }
0x49: {  	_ =	shalt  }
0x4a: {  	_ =	shalt  }
0x4b: {  	_ =	shalt  }
0x4c: {  	_ =	shalt  }
0x4d: {  	_ =	shalt  }
0x4e: {  	_ =	shalt  }
0x4f: {  	_ =	shalt  }
0x50: {  	_ =	shalt  }
0x51: {  	_ =	shalt  }
0x52: {  	_ =	shalt  }
0x53: {  	_ =	shalt  }
0x54: {  	_ =	shalt  }
0x55: {  	_ =	shalt  }
0x56: {  	_ =	shalt  }
0x57: {  	_ =	shalt  }
0x58: {  	_ =	shalt  }
0x59: {  	_ =	shalt  }
0x5a: {  	_ =	shalt  }
0x5b: {  	_ =	shalt  }
0x5c: {  	_ =	shalt  }
0x5d: {  	_ =	shalt  }
0x5e: {  	_ =	shalt  }
0x5f: {  	_ =	shalt  }
0x60: {  	_ =	shalt  }
0x61: {  	_ =	shalt  }
0x62: {  	_ =	shalt  }
0x63: {  	_ =	shalt  }
0x64: {  	_ =	shalt  }
0x65: {  	_ =	shalt  }
0x66: {  	_ =	shalt  }
0x67: {  	_ =	shalt  }
0x68: {  	_ =	shalt  }
0x69: {  	_ =	shalt  }
0x6a: {  	_ =	shalt  }
0x6b: {  	_ =	shalt  }
0x6c: {  	_ =	shalt  }
0x6d: {  	_ =	shalt  }
0x6e: {  	_ =	shalt  }
0x6f: {  	_ =	shalt  }
0x70: {  	_ =	shalt  }
0x71: {  	_ =	shalt  }
0x72: {  	_ =	shalt  }
0x73: {  	_ =	shalt  }
0x74: {  	_ =	shalt  }
0x75: {  	_ =	shalt  }
0x76: {  	_ =	shalt  }
0x77: {  	_ =	shalt  }
0x78: {  	_ =	shalt  }
0x79: {  	_ =	shalt  }
0x7a: {  	_ =	shalt  }
0x7b: {  	_ =	shalt  }
0x7c: {  	_ =	shalt  }
0x7d: {  	_ =	shalt  }
0x7e: {  	_ =	shalt  }
0x7f: {  	_ =	shalt  }
0x80: {  	_ =	shalt  }
0x81: {  	_ =	shalt  }
0x82: {  	_ =	shalt  }
0x83: {  	_ =	shalt  }
0x84: {  	_ =	shalt  }
0x85: {  	_ =	shalt  }
0x86: {  	_ =	shalt  }
0x87: {  	_ =	shalt  }
.Lfunc_end0:
.L_simem_size_0:
called_computation_lowered:
.L_overlay_start_0:
0x88: {  	s2 =	sld [smem:$0x3FD9]  }
0x89: {  	s3 =	sld [smem:$0x3FFE];
	_ =	sdelay $0x1  }
0x8a: {  	s1 =	srdreg.scid  }
0x8b: {  	s0 =	sand.u32 $0x1, s1  }
0x8c: {  	s16 =	sshll.u32 s0, $0xA;
	s2 =	sadd.s32 s3, s2  }
0x8d: {  	s2 =	sadd.s32 s2, s16  }
0x8e: {  	[smem:$0x3FC0] =	sst s2  }
0x8f: {  	_ = 	snop  }
0x90: {  	(tm) =	ssettm $0x1  }
0x91: {  	s17 =	sld [smem:$0x3FFB];
	_ =	sdelay $0x3  }
0x92: {  	_ =	strace s17  }
0x93: {  	s2 =	sld [smem:$0x3FFC];
	_ =	sdelay $0x3  }
0x94: {  	_ =	strace s2  }
0x95: {  	s2 =	sld [smem:$0x3FFD];
	_ =	sdelay $0x3  }
0x96: {  	_ =	strace s2  }
0x97: {  	_ =	strace $0x8FFFFFFF  }
0x98: {  	s18 =	sld [smem:$0x3FDB];
	_ =	sdelay $0x1  }
0x99: {  	s19 =	simm.s32 $_scs_section_size  }
0x9a: {  	s4 =	simm.s32 $_size__tile_overlayer_lowered;
	s5 =	simm.s32 $_tile_overlayer_lowered  }
0x9b: {  	s22 =	simm.s32 $0x1BFF;
	s21 =	sshll.u32 s5, $0x1;
	s2 =	sadd.s32 s19, s18  }
0x9c: {  	s6 =	simm.s32 $0x0;
	s20 =	sshll.u32 s4, $0x1;
	s4 =	sadd.s32 s21, s2  }
0x9d: {  	[timem:s6], [sflag:s22] =	dma.local [hbm:s4], s20  }
0x9e: {  	_ =	swait.ge [sflag:s22], s20  }
0x9f: {  	s3 =	ssub.s32 $0x0, s20;
	[sflag:s22] =	ssyncset.done $0x0  }
0xa0: {  	[sflag:s22] =	ssyncadd.s32 s3;
	_ =	sdelay $0x1  }
0xa1: {  	s23 =	simm.s32 $0x1B8B  }
0xa2: {  	_ =	swait.ge [sflag:s23], $0x1  }
0xa3: {  	[sflag:s23] =	ssyncset.done $0x0  }
0xa4: {  	s25 =	simm.s32 $0x1B8E;
	s24 =	sld [smem:$0x3FFE];
	[sflag:s23] =	ssyncadd.s32 $0xFFFFFFFF  }
0xa5: {  	s26 =	simm.s32 $execute0_lowered;
	[smem:$0x3FD2] =	sst s25  }
0xa6: {  	s4 =	sshll.u32 s26, $0x1;
	_ =	strace $0x80000046;
	[dreg:$0x1] =	wrdreg $0xFFFFFFFF  }
0xa7: {  	s28 =	simm.s32 $_size_execute0_lowered;
	s2 =	sadd.s32 s2, s4;
	[dreg:$0x0] =	wrdreg $0x0  }
0xa8: {  	s4 =	sshll.u32 s28, $0x1;
	[dreg:$0x2] =	wrdreg s2  }
0xa9: {  	[dreg:$0x3] =	wrdreg s4  }
0xaa: {  	[dreg:$0x4] =	wrdreg $0xC0  }
0xab: {  	_ =	task [dreg:s6], $0x5FFFF  }
0xac: {  	[dreg:$0x1] =	wrdreg $0xFFFFFFFF  }
0xad: {  	[dreg:$0x0] =	wrdreg $0x60  }
0xae: {  	[dreg:$0x2] =	wrdreg s24  }
0xaf: {  	[dreg:$0x3] =	wrdreg $0x88000  }
0xb0: {  	[dreg:$0x4] =	wrdreg $0x9  }
0xb1: {  	_ =	task.clear_ibuf [dreg:s6], $0x5FFFF;
	_ =	strace $0x90000046  }
0xb2: {  	s29 =	simm.s32 $0x9;
	_ =	strace $0x80000048  }
0xb3: {  	_ =	swait.ge [sflag:s29], $0x1  }
0xb4: {  	[sflag:s29] =	ssyncadd.s32 $0xFFFFFFFF  }
0xb5: {  	_ =	strace $0x90000048  }
0xb6: {  	_ =	sfence  }
0xb7: {  	s30 =	sld [smem:$0x0];
	_ =	sdelay $0x2  }
0xb8: {  	s31 =	sshll.u32 s1, $0xD;
	s1 =	sshrl.u32 s1, $0x2  }
0xb9: {  	s3 =	sand.u32 $0x4000, s31;
	s1 =	sadd.s32 s1, s30  }
0xba: {  	s0 =	sor.u32 s3, s0;
	s1 =	sshll.u32 s1, $0x11  }
0xbb: {  	s0 =	sor.u32 s1, s0  }
0xbc: {  	s0 =	sadd.s32 $0x8F2B, s0  }
0xbd: {  	[sflag:s0] =	ssyncadd.remote.s32 $0x1  }
0xbe: {  	_ =	sfence.sel $0xFFFF  }
0xbf: {  	[dreg:$0x0] =	wrdreg $0xFFFFFFFF;
	(pc) =	sbr.abs _section_cstart, $3  }
0xc0: {  	[dreg:$0x1] =	wrdreg $0xFFFFFFFF  }
0xc1: {  	_ =	task.clear_ibuf [dreg:s6], $0x2FFFF;
	_ =	strace $0x9FFFFFFF  }
0xc2: {  	(tm) =	ssettm $0x7FFFFFFF  }
0xc3: {  	_ =	shalt  }
tec
execute0_lowered:
.L_overlay_start_1:
0x0: {  	(tag) =	ssettag $0x1  }
0x1: {  	s5 =	rddreg [dreg:$0x0]  }
0x2: {  	s0 =	srdreg.scid;
	s2 =	rddreg [dreg:$0x1]  }
0x3: {  	s3 =	simm.s32 $0x0;
	s17 =	simm.s32 $0x1;
	s18 =	simm.s32 $0x6800  }
0x4: {  	s19 =	simm.s32 $0x80;
	s4 =	sand.u32 $0x1, s0;
	s0 =	stileid.u32  }
0x5: {  	s20 =	simm.s32 $0x2800;
	s22 =	simm.s32 $0x0;
	s7 =	smul.u32 $0x2800, s0  }
0x6: {  	[smem:$0x7FF] =	sst s3;
	s1 =	sshll.u32 s4, $0x4;
	s8 =	smul.u32 $0x28000, s4  }
0x7: {  	s9 =	smul.u32 $0x50000, s0;
	s4 =	ssub.s32 $0x2, s4;
	s21 =	sshll.u32 s0, $0x6  }
0x8: {  	s1 =	sor.u32 s0, s1;
	s30 =	sshrl.u32 s4, $0x1;
	s21 =	sor.u32 $0x1C01, s21  }
0x9: {  	s6 =	smul.u32 $0x500, s1;
	s1 =	rddreg [dreg:$0x2];
	_ =	strace $0x80000047  }
0xa: {  	s7 =	sadd.s32 s7, s8;
	s31 =	sshrl.u32 s9, $0x2;
	s16 =	ssub.s32 s4, s30  }
0xb: {  	s15 =	sadd.s32 s7, s5;
	s16 =	smax.u32 s16, $0x1;
	s6 =	sadd.s32 s6, s5  }
0xc: {  	s5 =	sadd.s32 s31, s2;
	s15 =	sadd.s32 $0x20800, s15;
	s4 =	sadd.s32 $0x2800, s6  }
0xd: {  	s6 =	sadd.s32 $0x2000, s5;
	s7 =	sadd.s32 $0x4000, s5;
	s8 =	sadd.s32 $0x6000, s5  }
0xe: {  	s9 =	sadd.s32 $0x8000, s5;
	s10 =	sadd.s32 $0xA000, s5;
	s11 =	sadd.s32 $0xC000, s5  }
0xf: {  	v0 =	vimm.f32 $1.000000000e+00;
	v1 =	vimm.f32 $0.0e+00;
	s12 =	sadd.s32 $0xE000, s5;
	s13 =	sadd.s32 $0x10000, s5;
	s14 =	sadd.s32 $0x12000, s5  }
.LBB2_1:
0x10: {  	[tilespmem:s3], [sflag:$0x1] =	stream.linear.gather [hbm4b:s4+s3], $0x2800, $0x38;
	[tilespmem:$0xB000] =	vst v63  }
0x11: {  	_ =	swait.ge [sflag:s17], $0x2800  }
0x12: {  	[sflag:s17] =	ssyncset.done $0x0  }
0x13: {  	s23 =	simm.s32 $0x0;
	[sflag:s17] =	ssyncadd.s32 $0xFFFFD800  }
.LBB2_2:
0x14: {  	p0 =	sne.s32 s23, $0xFE00  }
.Ltmp0:
0x15: {  	_ = 	snop;
	(pc) =	sbr.rel @p0 .LBB2_2-.Ltmp0, $3  }
0x16: {  	_ =	sdelay $0x1  }
0x17: {  	s24 =	sshra.s32 s23, $0x2  }
0x18: {  	s23 =	sadd.s32 $0x200, s23;
	[tilespmem:s24+$0x2800] =	vst v0  }
0x19: {  	s23 =	simm.s32 $0x200;
	s24 =	simm.s32 $0x0  }
.LBB2_4:
0x1a: {  	p0 =	sne.s32 s23, $0x7E00;
	[tilespmem:s24+$0x6800] =	vst v1;
	s24 =	smov.u32 s23;
	s23 =	sadd.s32 $0x200, s23  }
.Ltmp1:
0x1b: {  	(pc) =	sbr.rel @p0 .LBB2_4-.Ltmp1, $2  }
0x1c: {  	_ =	sdelay $0x2  }
0x1d: {  	s24 =	sshra.s32 s24, $0x2  }
0x1e: {  	[tilespmem:s24+$0x6800] =	vst v1  }
0x1f: {  	[spmem:s5] =	stream.linear.scatter [tilespmem:s18], [sflag:$0x1], $0x2000, $0x38;
	[tilespmem:$0xB000] =	vst v63  }
0x20: {  	_ =	swait.ge [sflag:s17], $0x2000  }
0x21: {  	[sflag:s17] =	ssyncset.done $0x0  }
0x22: {  	[sflag:s17] =	ssyncadd.s32 $0xFFFFE000  }
0x23: {  	[spmem:s6] =	stream.linear.scatter [tilespmem:s18], [sflag:$0x1], $0x2000, $0x38;
	[tilespmem:$0xB000] =	vst v63  }
0x24: {  	_ =	swait.ge [sflag:s17], $0x2000  }
0x25: {  	[sflag:s17] =	ssyncset.done $0x0  }
0x26: {  	[sflag:s17] =	ssyncadd.s32 $0xFFFFE000  }
0x27: {  	[spmem:s7] =	stream.linear.scatter [tilespmem:s18], [sflag:$0x1], $0x2000, $0x38;
	[tilespmem:$0xB000] =	vst v63  }
0x28: {  	_ =	swait.ge [sflag:s17], $0x2000  }
0x29: {  	[sflag:s17] =	ssyncset.done $0x0  }
0x2a: {  	[sflag:s17] =	ssyncadd.s32 $0xFFFFE000  }
0x2b: {  	[spmem:s8] =	stream.linear.scatter [tilespmem:s18], [sflag:$0x1], $0x2000, $0x38;
	[tilespmem:$0xB000] =	vst v63  }
0x2c: {  	_ =	swait.ge [sflag:s17], $0x2000  }
0x2d: {  	[sflag:s17] =	ssyncset.done $0x0  }
0x2e: {  	[sflag:s17] =	ssyncadd.s32 $0xFFFFE000  }
0x2f: {  	[spmem:s9] =	stream.linear.scatter [tilespmem:s18], [sflag:$0x1], $0x2000, $0x38;
	[tilespmem:$0xB000] =	vst v63  }
0x30: {  	_ =	swait.ge [sflag:s17], $0x2000  }
0x31: {  	[sflag:s17] =	ssyncset.done $0x0  }
0x32: {  	[sflag:s17] =	ssyncadd.s32 $0xFFFFE000  }
0x33: {  	[spmem:s10] =	stream.linear.scatter [tilespmem:s18], [sflag:$0x1], $0x2000, $0x38;
	[tilespmem:$0xB000] =	vst v63  }
0x34: {  	_ =	swait.ge [sflag:s17], $0x2000  }
0x35: {  	[sflag:s17] =	ssyncset.done $0x0  }
0x36: {  	[sflag:s17] =	ssyncadd.s32 $0xFFFFE000  }
0x37: {  	[spmem:s11] =	stream.linear.scatter [tilespmem:s18], [sflag:$0x1], $0x2000, $0x38;
	[tilespmem:$0xB000] =	vst v63  }
0x38: {  	_ =	swait.ge [sflag:s17], $0x2000  }
0x39: {  	[sflag:s17] =	ssyncset.done $0x0  }
0x3a: {  	[sflag:s17] =	ssyncadd.s32 $0xFFFFE000  }
0x3b: {  	[spmem:s12] =	stream.linear.scatter [tilespmem:s18], [sflag:$0x1], $0x2000, $0x38;
	[tilespmem:$0xB000] =	vst v63  }
0x3c: {  	_ =	swait.ge [sflag:s17], $0x2000  }
0x3d: {  	[sflag:s17] =	ssyncset.done $0x0  }
0x3e: {  	[sflag:s17] =	ssyncadd.s32 $0xFFFFE000  }
0x3f: {  	[spmem:s13] =	stream.linear.scatter [tilespmem:s18], [sflag:$0x1], $0x2000, $0x38;
	[tilespmem:$0xB000] =	vst v63  }
0x40: {  	_ =	swait.ge [sflag:s17], $0x2000  }
0x41: {  	[sflag:s17] =	ssyncset.done $0x0  }
0x42: {  	[sflag:s17] =	ssyncadd.s32 $0xFFFFE000  }
0x43: {  	[spmem:s14] =	stream.linear.scatter [tilespmem:s18], [sflag:$0x1], $0x2000, $0x38;
	[tilespmem:$0xB000] =	vst v63  }
0x44: {  	_ =	swait.ge [sflag:s17], $0x2000  }
0x45: {  	[sflag:s17] =	ssyncset.done $0x0  }
0x46: {  	[sflag:s17] =	ssyncadd.s32 $0xFFFFE000  }
0x47: {  	s23 =	simm.s32 $0x0;
	[bflag:$0x0] =	sbarrier.arrive $0xFFFF  }
0x48: {  	[spmem:s2] =	stream.indirect.scatter.add.f32 [tilespmem:s20], [sflag:$0x1], $0x10, s23, s19, $0xb8;
	[tilespmem:$0xB000] =	vst v63  }
0x49: {  	_ =	swait.ge [sflag:s17], $0x800  }
0x4a: {  	s23 =	simm.s32 $0x200;
	[sflag:s17] =	ssyncset.done $0x0  }
.LBB2_6:
0x4b: {  	s24 =	sshra.s32 s23, $0x2;
	[sflag:s17] =	ssyncadd.s32 $0xFFFFF800;
	p0 =	sne.s32 s23, $0x9E00  }
0x4c: {  	[spmem:s2] =	stream.indirect.scatter.add.f32 [tilespmem:s20], [sflag:$0x1], $0x10, s24, s19, $0xb8;
	[tilespmem:$0xB000] =	vst v63  }
.Ltmp2:
0x4d: {  	_ = 	snop;
	(pc) =	sbr.rel @p0 .LBB2_6-.Ltmp2, $4  }
0x4e: {  	_ = 	snop  }
0x4f: {  	s23 =	sadd.s32 $0x200, s23  }
0x50: {  	_ =	swait.ge [sflag:s17], $0x800  }
0x51: {  	[sflag:s17] =	ssyncset.done $0x0  }
0x52: {  	s22 =	sadd.s32 $0x1, s22  }
0x53: {  	[sflag:s17] =	ssyncadd.s32 $0xFFFFF800;
	p0 =	sne.s32 s22, s16  }
.Ltmp3:
0x54: {  	s23 =	sshrl.u32 s5, $0x3;
	[bflag:$0x0] =	sbarrier.arrive $0xFFFF;
	(pc) =	sbr.rel @p0 .LBB2_1-.Ltmp3, $4  }
0x55: {  	[hbm:s15], [sflag:s21] =	dma.local [spmem:s23], $0x2800  }
0x56: {  	_ =	swait.ge [sflag:s17], $0x2800  }
0x57: {  	[sflag:s17] =	ssyncset.done $0x0  }
0x58: {  	[sflag:s17] =	ssyncadd.s32 $0xFFFFD800  }
0x59: {  	_ =	sfence.sel $0x180000  }
0x5a: {  	[bflag:$0x0] =	sbarrier.arrive $0xFFFF  }
0x5b: {  	p0 =	sne.s32 s0, $0x0;
	_ =	strace $0x90000047  }
0x5c: {  	s0 =	sadd.s32 @!p0 $0x100000, s1;
	[bflag:$0x2] =	sbarrier.arrive $0xFFFF  }
0x5d: {  	[sflag:s0] =	ssyncadd.tile.s32 @!p0 $0x1;
	_ =	shalt  }
.Lfunc_end2:
_tile_overlayer_lowered:
.L_overlay_start_2:
0x5e: {  	(tag) =	ssettag $0x2  }
0x5f: {  	s0 =	rddreg [dreg:$0x0];
	s2 =	stileid.u32  }
0x60: {  	s1 =	rddreg [dreg:$0x1];
	p0 =	sne.s32 s2, $0x0  }
0x61: {  	s3 =	rddreg [dreg:$0x2];
	[bflag:$0x3] =	sbarrier.arrive $0xFFFF;
	s2 =	simm.s32 @!p0 $0x1C01  }
0x62: {  	[timem:s3], [sflag:s2] =	dma.local @!p0 [hbm:s0], s1  }
0x63: {  	s0 =	simm.s32 @!p0 $0x1  }
0x64: {  	_ =	swait.ge @!p0 [sflag:s0], s1  }
0x65: {  	s1 =	ssub.s32 @!p0 $0x0, s1;
	[sflag:s0] =	ssyncset.done @!p0 $0x0  }
0x66: {  	[sflag:s0] =	ssyncadd.s32 @!p0 s1  }
0x67: {  	[bflag:$0x3] =	sbarrier.arrive $0xFFFF  }
0x68: {  	_ =	shalt  }

</sc_bundles>
